<compile_context>
chip_gen: v7x
topology: tpu7x:2x2x1
jax: 0.10.2.dev20260603
libtpu: 0.0.44.dev20260713+nightly
codegen_flags: <defaults>
</compile_context>

<pallas_src>
import functools

import jax
import jax.numpy as jnp
from jax import lax
from jax.experimental import pallas as pl
from jax.experimental.pallas import tpu as pltpu
from jax.experimental.pallas import tpu_sc as plsc

_K = 16


def _sc_gather(table, idx, chunk=512):
    R = idx.shape[0]
    D = table.shape[1]
    info = plsc.get_sparse_core_info()
    nw = info.num_cores * info.num_subcores
    per_w = R // nw
    ch = min(chunk, per_w)
    mesh = plsc.VectorSubcoreMesh(core_axis_name="c", subcore_axis_name="s")

    @functools.partial(
        pl.kernel, mesh=mesh,
        out_type=jax.ShapeDtypeStruct((R, D), jnp.float32),
        scratch_types=[
            pltpu.VMEM((ch,), jnp.int32),
            pltpu.VMEM((ch, D), jnp.float32),
            pltpu.SemaphoreType.DMA,
        ],
    )
    def gk(table_hbm, idx_hbm, out_hbm, idx_v, rows_v, sem):
        wid = lax.axis_index("s") * info.num_cores + lax.axis_index("c")
        base = wid * per_w

        def body(i, carry):
            off = base + i * ch
            pltpu.sync_copy(idx_hbm.at[pl.ds(off, ch)], idx_v)
            pltpu.async_copy(table_hbm.at[idx_v], rows_v, sem).wait()
            pltpu.sync_copy(rows_v, out_hbm.at[pl.ds(off, ch)])
            return carry

        lax.fori_loop(0, per_w // ch, body, 0)

    return gk(table, idx)


def _knn_body(K, M, TQ, nt_ref, q_ref, st_ref, pen_ref, o_ref):
    blk = pl.program_id(1) * TQ

    @pl.when(blk < nt_ref[0])
    def _():
        q = q_ref[0]
        qq = jnp.sum(q * q, axis=1, keepdims=True)
        st = st_ref[0]
        s0, s1, s2 = st[0:1], st[1:2], st[2:3]
        ss = s0 * s0 + s1 * s1 + s2 * s2
        pen = pen_ref[0]
        cross = jax.lax.dot_general(
            q, st, dimension_numbers=(((1,), (0,)), ((), ())),
            preferred_element_type=jnp.float32)
        d = qq + ss - 2.0 * cross + pen
        iota = jax.lax.broadcasted_iota(jnp.int32, (1, M), 1)
        cols = []
        for _ in range(K):
            v = jnp.min(d, axis=1, keepdims=True)
            i = jnp.min(jnp.where(d == v, iota, M), axis=1, keepdims=True)
            cols.append(i)
            d = jnp.where(iota == i, jnp.inf, d)
        o_ref[0] = jnp.concatenate(cols, axis=1)

    @pl.when(blk >= nt_ref[0])
    def _():
        o_ref[0] = jnp.zeros((TQ, K), jnp.int32)


def _knn_topk(q, s, pen, n_t, K, TQ=128):
    B, NQ, _ = q.shape
    M = s.shape[1]
    st = jnp.transpose(s, (0, 2, 1))
    pen3 = pen.reshape(B, 1, M)
    body = functools.partial(_knn_body, K, M, TQ)
    grid_spec = pltpu.PrefetchScalarGridSpec(
        num_scalar_prefetch=1,
        grid=(B, NQ // TQ),
        in_specs=[
            pl.BlockSpec((1, TQ, 3), lambda b, j, nt: (b, j, 0)),
            pl.BlockSpec((1, 3, M), lambda b, j, nt: (b, 0, 0)),
            pl.BlockSpec((1, 1, M), lambda b, j, nt: (b, 0, 0)),
        ],
        out_specs=pl.BlockSpec((1, TQ, K), lambda b, j, nt: (b, j, 0)),
    )
    return pl.pallas_call(
        body,
        grid_spec=grid_spec,
        out_shape=jax.ShapeDtypeStruct((B, NQ, K), jnp.int32),
    )(jnp.reshape(n_t, (1,)).astype(jnp.int32), q, st, pen3)


_TN = 512


def _first():
    return jnp.logical_and(pl.program_id(0) == 0, pl.program_id(1) == 0)


def _lrelu(z):
    return jnp.where(z >= 0, z, 0.01 * z)


def _mask2(mask_ref, TN):
    m = mask_ref[0]
    return jnp.broadcast_to(m[:, None, :], (TN, 16, 1)).reshape(TN * 16, 1)


def _gather_parts(descs, refs, TN):
    R = TN * 16
    parts = []
    i = 0
    for d in descs:
        if d[0] == 'y':
            a = refs[i][0].reshape(R, 64)
            s = refs[i + 1][0, 0, :]
            bb = refs[i + 2][0, 0, :]
            parts.append(_lrelu(a * s + bb))
            i += 3
        elif d[0] == 'raw4':
            lo, hi = d[2], d[3]
            parts.append(refs[i][0][:, :, lo:hi].reshape(R, hi - lo))
            i += 1
        else:
            a = refs[i][0]
            C = a.shape[-1]
            parts.append(jnp.broadcast_to(a[:, None, :], (TN, 16, C)).reshape(R, C))
            i += 1
    return parts


def _in_specs_for(descs, TN):
    specs = []
    for d in descs:
        if d[0] == 'y':
            specs += [pl.BlockSpec((1, TN, 16, 64), lambda b, j: (b, j, 0, 0)),
                      pl.BlockSpec((1, 1, 64), lambda b, j: (0, 0, 0)),
                      pl.BlockSpec((1, 1, 64), lambda b, j: (0, 0, 0))]
        elif d[0] == 'raw4':
            specs.append(pl.BlockSpec((1, TN, 16, 128), lambda b, j: (b, j, 0, 0)))
        else:
            C = d[1].shape[-1]
            specs.append(pl.BlockSpec((1, TN, C), lambda b, j: (b, j, 0)))
    return specs


def _in_arrays_for(descs):
    arrs = []
    for d in descs:
        if d[0] == 'y':
            arrs += [d[1], d[2].reshape(1, 1, 64), d[3].reshape(1, 1, 64)]
        else:
            arrs.append(d[1])
    return arrs


def _mm_pass(descs, Wt, mask3, TN=_TN):
    first4 = next(d[1] for d in descs if d[0] != 'b3')
    B, N = first4.shape[0], first4.shape[1]
    cin = Wt.shape[0]

    def body(*refs):
        mask_ref, w_ref = refs[0], refs[1]
        y_ref, acc_ref = refs[-2], refs[-1]
        m2 = _mask2(mask_ref, TN)
        parts = _gather_parts(descs, refs[2:-2], TN)
        X = parts[0] if len(parts) == 1 else jnp.concatenate(parts, axis=1)
        Y = lax.dot_general(X, w_ref[...], (((1,), (0,)), ((), ())),
                            preferred_element_type=jnp.float32)
        y_ref[0] = Y.reshape(TN, 16, 64)

        @pl.when(_first())
        def _():
            acc_ref[...] = jnp.zeros((1, 1, 64), jnp.float32)
        acc_ref[...] += jnp.sum(Y * m2, axis=0).reshape(1, 1, 64)

    return pl.pallas_call(
        body,
        grid=(B, N // TN),
        in_specs=[pl.BlockSpec((1, TN, 1), lambda b, j: (0, j, 0)),
                  pl.BlockSpec((cin, 64), lambda b, j: (0, 0))]
        + _in_specs_for(descs, TN),
        out_specs=[pl.BlockSpec((1, TN, 16, 64), lambda b, j: (b, j, 0, 0)),
                   pl.BlockSpec((1, 1, 64), lambda b, j: (0, 0, 0))],
        out_shape=[jax.ShapeDtypeStruct((B, N, 16, 64), jnp.float32),
                   jax.ShapeDtypeStruct((1, 1, 64), jnp.float32)],
    )(mask3, Wt, *_in_arrays_for(descs))


def _var_pass(y, mean, mask3, TN=_TN):
    B, N = y.shape[0], y.shape[1]

    def body(mask_ref, mean_ref, y_ref, acc_ref):
        m2 = _mask2(mask_ref, TN)
        z = y_ref[0].reshape(TN * 16, 64) - mean_ref[0, 0, :]

        @pl.when(_first())
        def _():
            acc_ref[...] = jnp.zeros((1, 1, 64), jnp.float32)
        acc_ref[...] += jnp.sum(z * z * m2, axis=0).reshape(1, 1, 64)

    return pl.pallas_call(
        body,
        grid=(B, N // TN),
        in_specs=[pl.BlockSpec((1, TN, 1), lambda b, j: (0, j, 0)),
                  pl.BlockSpec((1, 1, 64), lambda b, j: (0, 0, 0)),
                  pl.BlockSpec((1, TN, 16, 64), lambda b, j: (b, j, 0, 0))],
        out_specs=pl.BlockSpec((1, 1, 64), lambda b, j: (0, 0, 0)),
        out_shape=jax.ShapeDtypeStruct((1, 1, 64), jnp.float32),
    )(mask3, mean.reshape(1, 1, 64), y)


def _bn_affine(sums, sumsq_fn, y, mask3, denom, gamma, beta):
    mean = sums.reshape(64) / denom
    var = sumsq_fn(y, mean, mask3).reshape(64) / denom
    s = gamma / jnp.sqrt(var + 1e-5)
    return s, beta - mean * s


def _softmax_wsum(logits_parts, feats_parts):
    m = logits_parts[0]
    for zk in logits_parts[1:]:
        m = jnp.maximum(m, zk)
    es = [jnp.exp(zk - m) for zk in logits_parts]
    s = es[0]
    for ek in es[1:]:
        s = s + ek
    tot = (es[0] / s) * feats_parts[0]
    for ek, fk in zip(es[1:], feats_parts[1:]):
        tot = tot + (ek / s) * fk
    return tot


def _out_pass(wq_y, wq_s, wq_b, feat_mode, feat_arr, f_s, f_b, TN=_TN):
    B, N = wq_y.shape[0], wq_y.shape[1]
    fspec = (pl.BlockSpec((1, TN, 16, 64), lambda b, j: (b, j, 0, 0))
             if feat_mode == 'y' else
             pl.BlockSpec((1, TN, 16, 128), lambda b, j: (b, j, 0, 0)))

    def body(y_ref, s_ref, b_ref, f_ref, fs_ref, fb_ref, o_ref):
        z = _lrelu(y_ref[0] * s_ref[0, 0, :] + b_ref[0, 0, :])
        if feat_mode == 'y':
            f = _lrelu(f_ref[0] * fs_ref[0, 0, :] + fb_ref[0, 0, :])
        else:
            f = f_ref[0][:, :, 0:64]
        zs = [z[:, k:k + 1, :] for k in range(16)]
        fs = [f[:, k:k + 1, :] for k in range(16)]
        o_ref[0] = _softmax_wsum(zs, fs).reshape(TN, 64)

    return pl.pallas_call(
        body,
        grid=(B, N // TN),
        in_specs=[pl.BlockSpec((1, TN, 16, 64), lambda b, j: (b, j, 0, 0)),
                  pl.BlockSpec((1, 1, 64), lambda b, j: (0, 0, 0)),
                  pl.BlockSpec((1, 1, 64), lambda b, j: (0, 0, 0)),
                  fspec,
                  pl.BlockSpec((1, 1, 64), lambda b, j: (0, 0, 0)),
                  pl.BlockSpec((1, 1, 64), lambda b, j: (0, 0, 0))],
        out_specs=pl.BlockSpec((1, TN, 64), lambda b, j: (b, j, 0)),
        out_shape=jax.ShapeDtypeStruct((B, N, 64), jnp.float32),
    )(wq_y, wq_s.reshape(1, 1, 64), wq_b.reshape(1, 1, 64),
      feat_arr, f_s.reshape(1, 1, 64), f_b.reshape(1, 1, 64))


def _build_pi_pass(g1, wxlz, wpn, W1t, Wet, mask3, TN=_TN):
    B, N = g1.shape[0], g1.shape[1]
    R = TN * 16

    def body(mask_ref, w1_ref, we_ref, g_ref, wx_ref, wpn_ref,
             y1_ref, ye_ref, a1_ref, ae_ref):
        m2 = _mask2(mask_ref, TN)
        g = g_ref[0]
        gf = g[:, :, 0:64]
        gx = g[:, :, 64:67].reshape(R, 3)
        mu = jnp.mean(gf, axis=-1, keepdims=True)
        d = gf - mu
        sd = jnp.sqrt(jnp.sum(d * d, axis=-1, keepdims=True) / 63.0)
        gfn = d / jnp.maximum(sd, 1e-12)
        wx3 = jnp.broadcast_to(wx_ref[0][:, None, :], (TN, 16, 3)).reshape(R, 3)
        wpb = jnp.broadcast_to(wpn_ref[0][:, None, :], (TN, 16, 64))
        X70 = jnp.concatenate([wx3, gx, (wpb * gfn).reshape(R, 64)], axis=1)
        X6 = jnp.concatenate([wx3, gx], axis=1)
        Y1 = lax.dot_general(X70, w1_ref[...], (((1,), (0,)), ((), ())),
                             preferred_element_type=jnp.float32)
        Ye = lax.dot_general(X6, we_ref[...], (((1,), (0,)), ((), ())),
                             preferred_element_type=jnp.float32)
        y1_ref[0] = Y1.reshape(TN, 16, 64)
        ye_ref[0] = Ye.reshape(TN, 16, 64)

        @pl.when(_first())
        def _():
            a1_ref[...] = jnp.zeros((1, 1, 64), jnp.float32)
            ae_ref[...] = jnp.zeros((1, 1, 64), jnp.float32)
        a1_ref[...] += jnp.sum(Y1 * m2, axis=0).reshape(1, 1, 64)
        ae_ref[...] += jnp.sum(Ye * m2, axis=0).reshape(1, 1, 64)

    return pl.pallas_call(
        body,
        grid=(B, N // TN),
        in_specs=[pl.BlockSpec((1, TN, 1), lambda b, j: (0, j, 0)),
                  pl.BlockSpec((70, 64), lambda b, j: (0, 0)),
                  pl.BlockSpec((6, 64), lambda b, j: (0, 0)),
                  pl.BlockSpec((1, TN, 16, 128), lambda b, j: (b, j, 0, 0)),
                  pl.BlockSpec((1, TN, 3), lambda b, j: (b, j, 0)),
                  pl.BlockSpec((1, TN, 64), lambda b, j: (b, j, 0))],
        out_specs=[pl.BlockSpec((1, TN, 16, 64), lambda b, j: (b, j, 0, 0)),
                   pl.BlockSpec((1, TN, 16, 64), lambda b, j: (b, j, 0, 0)),
                   pl.BlockSpec((1, 1, 64), lambda b, j: (0, 0, 0)),
                   pl.BlockSpec((1, 1, 64), lambda b, j: (0, 0, 0))],
        out_shape=[jax.ShapeDtypeStruct((B, N, 16, 64), jnp.float32),
                   jax.ShapeDtypeStruct((B, N, 16, 64), jnp.float32),
                   jax.ShapeDtypeStruct((1, 1, 64), jnp.float32),
                   jax.ShapeDtypeStruct((1, 1, 64), jnp.float32)],
    )(mask3, W1t, Wet, g1, wxlz, wpn)


def _build_pc_pass(g2, wxlz, Wpct, mask3, TN=_TN):
    B, N = g2.shape[0], g2.shape[1]
    R = TN * 16

    def body(mask_ref, w_ref, g_ref, wx_ref, ye_ref, acc_ref):
        m2 = _mask2(mask_ref, TN)
        gxp = g_ref[0][:, :, 64:67]
        wx3 = jnp.broadcast_to(wx_ref[0][:, None, :], (TN, 16, 3))
        diff = gxp - wx3
        euc = jnp.sqrt(jnp.sum(diff * diff, axis=2, keepdims=True) + 1e-20)
        X10 = jnp.concatenate([wx3, gxp, diff, euc], axis=2).reshape(R, 10)
        Y = lax.dot_general(X10, w_ref[...], (((1,), (0,)), ((), ())),
                            preferred_element_type=jnp.float32)
        ye_ref[0] = Y.reshape(TN, 16, 64)

        @pl.when(_first())
        def _():
            acc_ref[...] = jnp.zeros((1, 1, 64), jnp.float32)
        acc_ref[...] += jnp.sum(Y * m2, axis=0).reshape(1, 1, 64)

    return pl.pallas_call(
        body,
        grid=(B, N // TN),
        in_specs=[pl.BlockSpec((1, TN, 1), lambda b, j: (0, j, 0)),
                  pl.BlockSpec((10, 64), lambda b, j: (0, 0)),
                  pl.BlockSpec((1, TN, 16, 128), lambda b, j: (b, j, 0, 0)),
                  pl.BlockSpec((1, TN, 3), lambda b, j: (b, j, 0))],
        out_specs=[pl.BlockSpec((1, TN, 16, 64), lambda b, j: (b, j, 0, 0)),
                   pl.BlockSpec((1, 1, 64), lambda b, j: (0, 0, 0))],
        out_shape=[jax.ShapeDtypeStruct((B, N, 16, 64), jnp.float32),
                   jax.ShapeDtypeStruct((1, 1, 64), jnp.float32)],
    )(mask3, Wpct, g2, wxlz)


def _nc2bnc(feats, batch_info, length):
    counts = jnp.bincount(batch_info, length=length)
    n = feats[0].shape[0]
    n_t = jnp.max(counts)
    offset = jnp.cumsum(counts) - counts
    ind = jnp.arange(n)
    new_count = jnp.full_like(counts, n)
    new_offset = jnp.cumsum(new_count) - new_count
    ind = ind + (new_offset - offset)[batch_info]
    out = []
    for feat in feats:
        c = feat.shape[-1]
        buf = jnp.zeros((length * n, c), dtype=jnp.float32).at[ind].set(feat)
        out.append(buf.reshape(length, n, c))
    return out, ind, n_t


def _norm_ch(x):
    m = jnp.mean(x, axis=-1, keepdims=True)
    s = jnp.std(x, axis=-1, keepdims=True, ddof=1)
    return (x - m) / jnp.maximum(s, 1e-12)


def _mlp_layer(x, p, m, denom):
    W, gamma, beta = p
    y = jnp.einsum('bnkc,oc->bnko', x, W)
    mean = jnp.sum(y * m, axis=(0, 1, 2), keepdims=True) / denom
    var = jnp.sum((y - mean) * (y - mean) * m, axis=(0, 1, 2), keepdims=True) / denom
    y = (y - mean) / jnp.sqrt(var + 1e-5) * gamma + beta
    return jnp.where(y >= 0, y, 0.01 * y)


def kernel(warped_xyz, warped_points, batch_info, batch_size, f2_xyz, f2_points, lidar_z, params):
    B = f2_xyz.shape[0]
    M = f2_xyz.shape[1]
    (wx, wp, lz), inv, n_t = _nc2bnc(
        [warped_xyz, warped_points, lidar_z], batch_info, B)
    valid_mask = (jnp.sum(wx * wx, axis=-1) >= 1e-10).astype(jnp.float32)

    idx_q = _knn_topk(wx, f2_xyz, jnp.zeros((B, M), jnp.float32), n_t, _K)
    bi = jnp.arange(B)[:, None, None]
    C = f2_points.shape[-1]
    n_all = wx.shape[1]
    tab1 = jnp.concatenate(
        [f2_points.reshape(B * M, C),
         jnp.pad(f2_xyz.reshape(B * M, 3), ((0, 0), (0, 125 - C)))], axis=1)
    flat_q = (idx_q + (bi * M)).reshape(-1)
    g1 = _sc_gather(tab1, flat_q).reshape(B, n_all, _K, 128)

    qi_points_grouped = g1[:, :, :, 0:C]
    qi_xyz_grouped = g1[:, :, :, C:C + 3]

    wx = wx * lz
    K = _K
    b, n, _ = wx.shape
    slot_mask = (jnp.arange(n) < n_t).astype(jnp.float32)[None, :, None, None]
    n_f = n_t.astype(jnp.float32)
    denom_q = b * n_f * K
    denom_p = b * n_f * _K
    pi_xyz_expanded = jnp.broadcast_to(wx[:, :, None, :], (b, n, K, 3))
    pi_points_expanded = jnp.broadcast_to(wp[:, :, None, :], (b, n, K, wp.shape[-1]))
    pi_xyz_diff_concat = jnp.concatenate([pi_xyz_expanded, qi_xyz_grouped], axis=3)
    pi_points_expanded = _norm_ch(pi_points_expanded)
    qi_points_grouped = _norm_ch(qi_points_grouped)
    pi_feat_diff = pi_points_expanded * qi_points_grouped
    pi_feat1_new = jnp.concatenate([pi_xyz_diff_concat, pi_feat_diff], axis=3)
    for p in params['mlp1']:
        pi_feat1_new = _mlp_layer(pi_feat1_new, p, slot_mask, denom_q)
    pi_xyz_encoding = _mlp_layer(pi_xyz_diff_concat, params['pi_enc'], slot_mask, denom_q)
    pi_concat = jnp.concatenate([pi_xyz_encoding, pi_feat1_new], axis=3)
    for p in params['mlp2']:
        pi_concat = _mlp_layer(pi_concat, p, slot_mask, denom_q)
    WQ = jax.nn.softmax(pi_concat, axis=2)
    pi_feat1_new = jnp.sum(WQ * pi_feat1_new, axis=2)

    pen = (1.0 - valid_mask) * 1e10
    idx_p = _knn_topk(wx, wx, pen, n_t, _K)
    c2 = pi_feat1_new.shape[-1]
    tab2 = jnp.concatenate(
        [pi_feat1_new.reshape(b * n, c2),
         jnp.pad(wx.reshape(b * n, 3), ((0, 0), (0, 125 - c2)))], axis=1)
    flat_p = (idx_p + (bi * n)).reshape(-1)
    g2 = _sc_gather(tab2, flat_p).reshape(b, n, _K, 128)
    pc_points_grouped = g2[:, :, :, 0:c2]
    pc_xyz_grouped = g2[:, :, :, c2:c2 + 3]

    pc_xyz_new = jnp.broadcast_to(wx[:, :, None, :], (b, n, _K, 3))
    pc_points_new = jnp.broadcast_to(wp[:, :, None, :], (b, n, _K, wp.shape[-1]))
    pc_xyz_diff = pc_xyz_grouped - pc_xyz_new
    pc_euc_diff = jnp.sqrt(jnp.sum(pc_xyz_diff * pc_xyz_diff, axis=3, keepdims=True) + 1e-20)
    pc_xyz_diff_concat = jnp.concatenate(
        [pc_xyz_new, pc_xyz_grouped, pc_xyz_diff, pc_euc_diff], axis=3)
    pc_xyz_encoding = _mlp_layer(pc_xyz_diff_concat, params['pc_enc'], slot_mask, denom_p)
    pc_concat = jnp.concatenate([pc_xyz_encoding, pc_points_new, pc_points_grouped], axis=-1)
    for p in params['mlp2b']:
        pc_concat = _mlp_layer(pc_concat, p, slot_mask, denom_p)
    WP = jax.nn.softmax(pc_concat, axis=2)
    pc_feat1_new = jnp.sum(WP * pc_points_grouped, axis=2)
    c = pc_feat1_new.shape[-1]
    flat_out = jnp.pad(pc_feat1_new.reshape(b * n, c), ((0, 0), (0, 128 - c)))
    return _sc_gather(flat_out, inv.astype(jnp.int32), chunk=256)[:, :c]

# --- scband reference (transcript-rebuilt; emitter-appended) ---
"""Pipeline reference for scband-cost-volume-42219528520127 (READ-ONLY COPY).

The authoritative reference and input builder live on the scoring server;
editing this copy changes nothing except your own understanding.
"""

import jax, jax.numpy as jnp
import numpy as np

NSAMPLE = 16
NSAMPLE_Q = 16

def nc2bnc(feats, batch_info, batch_size, length):
    counts = jnp.bincount(batch_info, length=length) + 0 * batch_size
    n = feats[0].shape[0]
    n_t = jnp.max(counts)
    offset = jnp.cumsum(counts) - counts
    ind = jnp.arange(feats[0].shape[0])
    new_count = jnp.full_like(counts, n)
    new_offset = jnp.cumsum(new_count) - new_count
    ind = ind + (new_offset - offset)[batch_info]
    out = []
    for feat in feats:
        c = feat.shape[-1]
        buf = jnp.zeros((length * n, c), dtype=jnp.float32).at[ind].set(feat)
        out.append(buf.reshape(length, n, c))
    return out, ind, n_t

def sqdist(q, s):
    qq = jnp.sum(q * q, axis=-1)[:, :, None]
    ss = jnp.sum(s * s, axis=-1)[:, None, :]
    return qq + ss - 2.0 * jnp.einsum('bnd,bmd->bnm', q, s)

def grouping(feature, K, src_xyz, q_xyz):
    dist = jax.lax.stop_gradient(sqdist(q_xyz, src_xyz))
    _, idx = jax.lax.top_k(-dist, K)
    bi = jnp.arange(src_xyz.shape[0])[:, None, None]
    gx = src_xyz[bi, idx]
    gf = feature[bi, idx]
    return gx, gx - q_xyz[:, :, None, :], gf, idx

def mask_grouping(feature, K, src_xyz, q_xyz, mask):
    dist = jax.lax.stop_gradient(sqdist(q_xyz, src_xyz))
    dist = dist + (1.0 - mask)[:, None, :] * 1e10
    _, idx = jax.lax.top_k(-dist, K)
    bi = jnp.arange(src_xyz.shape[0])[:, None, None]
    gx = src_xyz[bi, idx]
    gf = feature[bi, idx]
    return gx, gx - q_xyz[:, :, None, :], gf, idx

def mlp_layer(x, p, m, denom):
    W, gamma, beta = p
    y = jnp.einsum('bnkc,oc->bnko', x, W)
    mean = jnp.sum(y * m, axis=(0, 1, 2), keepdims=True) / denom
    var = jnp.sum((y - mean) * (y - mean) * m, axis=(0, 1, 2), keepdims=True) / denom
    y = (y - mean) / jnp.sqrt(var + 1e-5) * gamma + beta
    return jnp.where(y >= 0, y, 0.01 * y)

def norm_ch(x):
    m = jnp.mean(x, axis=-1, keepdims=True)
    s = jnp.std(x, axis=-1, keepdims=True, ddof=1)
    return (x - m) / jnp.maximum(s, 1e-12)

def cost_volume(warped_xyz, warped_points, batch_info, batch_size, f2_xyz, f2_points, lidar_z, params):
    B = f2_xyz.shape[0]
    (wx, wp, lz), inv, n_t = nc2bnc([warped_xyz, warped_points, lidar_z], batch_info, batch_size, B)
    valid_mask = (jnp.sum(wx * wx, axis=-1) >= 1e-10).astype(jnp.float32)
    qi_xyz_grouped, _, qi_points_grouped, _ = grouping(f2_points, NSAMPLE_Q, f2_xyz, wx)
    wx = wx * lz
    K = qi_xyz_grouped.shape[2]
    b, n, _ = wx.shape
    slot_mask = (jnp.arange(n) < n_t).astype(jnp.float32)[None, :, None, None]
    n_f = n_t.astype(jnp.float32)
    denom_q = b * n_f * K
    denom_p = b * n_f * NSAMPLE
    pi_xyz_expanded = jnp.broadcast_to(wx[:, :, None, :], (b, n, K, 3))
    pi_points_expanded = jnp.broadcast_to(wp[:, :, None, :], (b, n, K, wp.shape[-1]))
    pi_xyz_diff_concat = jnp.concatenate([pi_xyz_expanded, qi_xyz_grouped], axis=3)
    pi_points_expanded = norm_ch(pi_points_expanded)
    qi_points_grouped = norm_ch(qi_points_grouped)
    pi_feat_diff = pi_points_expanded * qi_points_grouped
    pi_feat1_new = jnp.concatenate([pi_xyz_diff_concat, pi_feat_diff], axis=3)
    for p in params['mlp1']:
        pi_feat1_new = mlp_layer(pi_feat1_new, p, slot_mask, denom_q)
    pi_xyz_encoding = mlp_layer(pi_xyz_diff_concat, params['pi_enc'], slot_mask, denom_q)
    pi_concat = jnp.concatenate([pi_xyz_encoding, pi_feat1_new], axis=3)
    for p in params['mlp2']:
        pi_concat = mlp_layer(pi_concat, p, slot_mask, denom_q)
    WQ = jax.nn.softmax(pi_concat, axis=2)
    pi_feat1_new = jnp.sum(WQ * pi_feat1_new, axis=2)
    pc_xyz_grouped, _, pc_points_grouped, _ = mask_grouping(pi_feat1_new, NSAMPLE, wx, wx, valid_mask)
    pc_xyz_new = jnp.broadcast_to(wx[:, :, None, :], (b, n, NSAMPLE, 3))
    pc_points_new = jnp.broadcast_to(wp[:, :, None, :], (b, n, NSAMPLE, wp.shape[-1]))
    pc_xyz_diff = pc_xyz_grouped - pc_xyz_new
    pc_euc_diff = jnp.sqrt(jnp.sum(pc_xyz_diff * pc_xyz_diff, axis=3, keepdims=True) + 1e-20)
    pc_xyz_diff_concat = jnp.concatenate([pc_xyz_new, pc_xyz_grouped, pc_xyz_diff, pc_euc_diff], axis=3)
    pc_xyz_encoding = mlp_layer(pc_xyz_diff_concat, params['pc_enc'], slot_mask, denom_p)
    pc_concat = jnp.concatenate([pc_xyz_encoding, pc_points_new, pc_points_grouped], axis=-1)
    for p in params['mlp2b']:
        pc_concat = mlp_layer(pc_concat, p, slot_mask, denom_p)
    WP = jax.nn.softmax(pc_concat, axis=2)
    pc_feat1_new = jnp.sum(WP * pc_points_grouped, axis=2)
    c = pc_feat1_new.shape[-1]
    return pc_feat1_new.reshape(b * n, c)[inv]

def _mk_mlp(key, c_in, c_out):
    W = jax.random.normal(key, (c_out, c_in), dtype=jnp.float32) / np.sqrt(c_in)
    return (W, jnp.ones((c_out,), jnp.float32), jnp.zeros((c_out,), jnp.float32))

def setup_inputs(seed: int = 0):
    key = jax.random.key(seed)
    ks = jax.random.split(key, 16)
    N, B, M, C = 8192, 4, 4096, 64
    warped_xyz = jax.random.normal(ks[0], (N, 3), dtype=jnp.float32)
    warped_points = jax.random.normal(ks[1], (N, C), dtype=jnp.float32)
    batch_info = jnp.sort(jax.random.randint(ks[2], (N,), 0, B))
    f2_xyz = jax.random.normal(ks[3], (B, M, 3), dtype=jnp.float32)
    f2_points = jax.random.normal(ks[4], (B, M, C), dtype=jnp.float32)
    lidar_z = jax.random.uniform(ks[5], (N, 1), dtype=jnp.float32)
    params = {
        'mlp1': [_mk_mlp(ks[6], C + 6, 64), _mk_mlp(ks[7], 64, 64)],
        'pi_enc': _mk_mlp(ks[8], 6, 64),
        'mlp2': [_mk_mlp(ks[9], 128, 64), _mk_mlp(ks[10], 64, 64)],
        'pc_enc': _mk_mlp(ks[11], 10, 64),
        'mlp2b': [_mk_mlp(ks[12], 128 + C, 64), _mk_mlp(ks[13], 64, 64)],
    }
    return {'warped_xyz': warped_xyz, 'warped_points': warped_points, 'batch_info': batch_info, 'batch_size': B, 'f2_xyz': f2_xyz, 'f2_points': f2_points, 'lidar_z': lidar_z, 'params': params}

def reference(warped_xyz, warped_points, batch_info, batch_size, f2_xyz, f2_points, lidar_z, params):
    return cost_volume(warped_xyz, warped_points, batch_info, batch_size, f2_xyz, f2_points, lidar_z, params)

if __name__ == "__main__":
    import jax
    _d = setup_inputs()
    print(jax.jit(kernel)(*tuple(_d.values())))

</pallas_src>

<mosaic_0001>
#map = affine_map<(d0, d1) -> (0, 0)>
#map1 = affine_map<(d0, d1) -> (0)>
module attributes {stable_mosaic.version = 14 : i64} {
  func.func @gk(%arg0: i32, %arg1: i32, %arg2: memref<32768x128xf32, #tpu.memory_space<hbm>>, %arg3: memref<524288xi32, #tpu.memory_space<hbm>>, %arg4: memref<524288x128xf32, #tpu.memory_space<hbm>>, %arg5: memref<512xi32, #tpu.memory_space<vmem>>, %arg6: memref<512x128xf32, #tpu.memory_space<vmem>>, %arg7: memref<!tpu.dma_semaphore, #tpu.memory_space<semaphore_mem>>) attributes {dimension_semantics = [#tpu.dimension_semantics<core_parallel>, #tpu.dimension_semantics<subcore_parallel>], iteration_bounds = array<i64: 2, 16>, scalar_prefetch = 0 : i64, scratch_operands = 3 : i64, tpu.core_type = #tpu.core_type<sc_vector_subcore>, window_params = [{transform_indices = #map}, {transform_indices = #map1}, {transform_indices = #map}]} {
    %mul3A = arith.constant 2 : i32
    %mul3A_0 = arith.muli %arg1, %mul3A : i32
    %add3A = arith.addi %mul3A_0, %arg0 : i32
    %mul3A_1 = arith.constant 16384 : i32
    %mul3A_2 = arith.muli %add3A, %mul3A_1 : i32
    %scan3A = arith.constant 0 : i32
    %scan3A_3 = arith.constant 0 : i32
    %scan3A_4 = arith.constant 32 : i32
    %scan3A_5 = arith.addi %scan3A_3, %scan3A_4 : i32
    %scan3A_6 = arith.constant 1 : i32
    scf.for %scan3A_8 = %scan3A_3 to %scan3A_5 step %scan3A_6  : i32 {
      %mul3A_9 = arith.constant 512 : i32
      %mul3A_10 = arith.muli %scan3A_8, %mul3A_9 : i32
      %add3A_11 = arith.addi %mul3A_2, %mul3A_10 : i32
      "tpu.region"() ({
        %run_scoped3A = tpu.sem_alloc : memref<!tpu.dma_semaphore, #tpu.memory_space<semaphore_mem>>
        %dma_start3A_16 = tpu.memref_slice %arg3[%add3A_11] : memref<524288xi32, #tpu.memory_space<hbm>> -> memref<512xi32, #tpu.memory_space<hbm>>
        %dma_start3A_17 = tpu.memref_slice %arg3[%add3A_11] : memref<524288xi32, #tpu.memory_space<hbm>> -> memref<512xi32, #tpu.memory_space<hbm>>
        tpu.enqueue_dma source(%dma_start3A_17 : memref<512xi32, #tpu.memory_space<hbm>>) target(%arg5 : memref<512xi32, #tpu.memory_space<vmem>>) target_semaphore(%run_scoped3A : memref<!tpu.dma_semaphore, #tpu.memory_space<semaphore_mem>>)
        %dma_wait3A_18 = tpu.memref_slice %arg3[%add3A_11] : memref<524288xi32, #tpu.memory_space<hbm>> -> memref<512xi32, #tpu.memory_space<hbm>>
        %dma_wait3A_19 = tpu.memref_slice %arg3[%add3A_11] : memref<524288xi32, #tpu.memory_space<hbm>> -> memref<512xi32, #tpu.memory_space<hbm>>
        tpu.wait_dma2 semaphore(%run_scoped3A : memref<!tpu.dma_semaphore, #tpu.memory_space<semaphore_mem>>) src(%dma_wait3A_19 : memref<512xi32, #tpu.memory_space<hbm>>) dst(%arg5 : memref<512xi32, #tpu.memory_space<vmem>>)
        tpu.yield
      }) : () -> ()
      %dma_start3A = arith.constant 0 : i32
      %dma_start3A_12 = arith.constant 0 : i32
      %dma_start3A_13 = tpu.memref_slice %arg2[%dma_start3A, %dma_start3A_12] : memref<32768x128xf32, #tpu.memory_space<hbm>> -> memref<32768x128xf32, #tpu.memory_space<hbm>>
      tpu.enqueue_indirect_dma source(%dma_start3A_13 : memref<32768x128xf32, #tpu.memory_space<hbm>>) target(%arg6 : memref<512x128xf32, #tpu.memory_space<vmem>>) offsets(%arg5 : memref<512xi32, #tpu.memory_space<vmem>>) semaphore(%arg7 : memref<!tpu.dma_semaphore, #tpu.memory_space<semaphore_mem>>)
      %dma_wait3A = arith.constant 0 : i32
      %dma_wait3A_14 = arith.constant 0 : i32
      %dma_wait3A_15 = tpu.memref_slice %arg2[%dma_wait3A, %dma_wait3A_14] : memref<32768x128xf32, #tpu.memory_space<hbm>> -> memref<32768x128xf32, #tpu.memory_space<hbm>>
      tpu.wait_indirect_dma semaphore(%arg7 : memref<!tpu.dma_semaphore, #tpu.memory_space<semaphore_mem>>) src(%dma_wait3A_15 : memref<32768x128xf32, #tpu.memory_space<hbm>>) dst(%arg6 : memref<512x128xf32, #tpu.memory_space<vmem>>)
      "tpu.region"() ({
        %run_scoped3A = tpu.sem_alloc : memref<!tpu.dma_semaphore, #tpu.memory_space<semaphore_mem>>
        %dma_start3A_16 = arith.constant 0 : i32
        %dma_start3A_17 = tpu.memref_slice %arg4[%add3A_11, %dma_start3A_16] : memref<524288x128xf32, #tpu.memory_space<hbm>> -> memref<512x128xf32, #tpu.memory_space<hbm>>
        %dma_start3A_18 = arith.constant 0 : i32
        %dma_start3A_19 = tpu.memref_slice %arg4[%add3A_11, %dma_start3A_18] : memref<524288x128xf32, #tpu.memory_space<hbm>> -> memref<512x128xf32, #tpu.memory_space<hbm>>
        tpu.enqueue_dma source(%arg6 : memref<512x128xf32, #tpu.memory_space<vmem>>) target(%dma_start3A_19 : memref<512x128xf32, #tpu.memory_space<hbm>>) target_semaphore(%run_scoped3A : memref<!tpu.dma_semaphore, #tpu.memory_space<semaphore_mem>>)
        %dma_wait3A_20 = arith.constant 0 : i32
        %dma_wait3A_21 = tpu.memref_slice %arg4[%add3A_11, %dma_wait3A_20] : memref<524288x128xf32, #tpu.memory_space<hbm>> -> memref<512x128xf32, #tpu.memory_space<hbm>>
        %dma_wait3A_22 = arith.constant 0 : i32
        %dma_wait3A_23 = tpu.memref_slice %arg4[%add3A_11, %dma_wait3A_22] : memref<524288x128xf32, #tpu.memory_space<hbm>> -> memref<512x128xf32, #tpu.memory_space<hbm>>
        tpu.wait_dma2 semaphore(%run_scoped3A : memref<!tpu.dma_semaphore, #tpu.memory_space<semaphore_mem>>) src(%arg6 : memref<512x128xf32, #tpu.memory_space<vmem>>) dst(%dma_wait3A_23 : memref<512x128xf32, #tpu.memory_space<hbm>>)
        tpu.yield
      }) : () -> ()
    }
    %scan3A_7 = arith.constant 32 : i32
    return
  }
}

#map = affine_map<(d0, d1) -> (0, 0)>
#map1 = affine_map<(d0, d1) -> (0)>
module attributes {stable_mosaic.version = 14 : i64} {
  func.func @gk(%arg0: i32, %arg1: i32, %arg2: memref<16384x128xf32, #tpu.memory_space<hbm>>, %arg3: memref<524288xi32, #tpu.memory_space<hbm>>, %arg4: memref<524288x128xf32, #tpu.memory_space<hbm>>, %arg5: memref<512xi32, #tpu.memory_space<vmem>>, %arg6: memref<512x128xf32, #tpu.memory_space<vmem>>, %arg7: memref<!tpu.dma_semaphore, #tpu.memory_space<semaphore_mem>>) attributes {dimension_semantics = [#tpu.dimension_semantics<core_parallel>, #tpu.dimension_semantics<subcore_parallel>], iteration_bounds = array<i64: 2, 16>, scalar_prefetch = 0 : i64, scratch_operands = 3 : i64, tpu.core_type = #tpu.core_type<sc_vector_subcore>, window_params = [{transform_indices = #map}, {transform_indices = #map1}, {transform_indices = #map}]} {
    %mul3A = arith.constant 2 : i32
    %mul3A_0 = arith.muli %arg1, %mul3A : i32
    %add3A = arith.addi %mul3A_0, %arg0 : i32
    %mul3A_1 = arith.constant 16384 : i32
    %mul3A_2 = arith.muli %add3A, %mul3A_1 : i32
    %scan3A = arith.constant 0 : i32
    %scan3A_3 = arith.constant 0 : i32
    %scan3A_4 = arith.constant 32 : i32
    %scan3A_5 = arith.addi %scan3A_3, %scan3A_4 : i32
    %scan3A_6 = arith.constant 1 : i32
    scf.for %scan3A_8 = %scan3A_3 to %scan3A_5 step %scan3A_6  : i32 {
      %mul3A_9 = arith.constant 512 : i32
      %mul3A_10 = arith.muli %scan3A_8, %mul3A_9 : i32
      %add3A_11 = arith.addi %mul3A_2, %mul3A_10 : i32
      "tpu.region"() ({
        %run_scoped3A = tpu.sem_alloc : memref<!tpu.dma_semaphore, #tpu.memory_space<semaphore_mem>>
        %dma_start3A_16 = tpu.memref_slice %arg3[%add3A_11] : memref<524288xi32, #tpu.memory_space<hbm>> -> memref<512xi32, #tpu.memory_space<hbm>>
        %dma_start3A_17 = tpu.memref_slice %arg3[%add3A_11] : memref<524288xi32, #tpu.memory_space<hbm>> -> memref<512xi32, #tpu.memory_space<hbm>>
        tpu.enqueue_dma source(%dma_start3A_17 : memref<512xi32, #tpu.memory_space<hbm>>) target(%arg5 : memref<512xi32, #tpu.memory_space<vmem>>) target_semaphore(%run_scoped3A : memref<!tpu.dma_semaphore, #tpu.memory_space<semaphore_mem>>)
        %dma_wait3A_18 = tpu.memref_slice %arg3[%add3A_11] : memref<524288xi32, #tpu.memory_space<hbm>> -> memref<512xi32, #tpu.memory_space<hbm>>
        %dma_wait3A_19 = tpu.memref_slice %arg3[%add3A_11] : memref<524288xi32, #tpu.memory_space<hbm>> -> memref<512xi32, #tpu.memory_space<hbm>>
        tpu.wait_dma2 semaphore(%run_scoped3A : memref<!tpu.dma_semaphore, #tpu.memory_space<semaphore_mem>>) src(%dma_wait3A_19 : memref<512xi32, #tpu.memory_space<hbm>>) dst(%arg5 : memref<512xi32, #tpu.memory_space<vmem>>)
        tpu.yield
      }) : () -> ()
      %dma_start3A = arith.constant 0 : i32
      %dma_start3A_12 = arith.constant 0 : i32
      %dma_start3A_13 = tpu.memref_slice %arg2[%dma_start3A, %dma_start3A_12] : memref<16384x128xf32, #tpu.memory_space<hbm>> -> memref<16384x128xf32, #tpu.memory_space<hbm>>
      tpu.enqueue_indirect_dma source(%dma_start3A_13 : memref<16384x128xf32, #tpu.memory_space<hbm>>) target(%arg6 : memref<512x128xf32, #tpu.memory_space<vmem>>) offsets(%arg5 : memref<512xi32, #tpu.memory_space<vmem>>) semaphore(%arg7 : memref<!tpu.dma_semaphore, #tpu.memory_space<semaphore_mem>>)
      %dma_wait3A = arith.constant 0 : i32
      %dma_wait3A_14 = arith.constant 0 : i32
      %dma_wait3A_15 = tpu.memref_slice %arg2[%dma_wait3A, %dma_wait3A_14] : memref<16384x128xf32, #tpu.memory_space<hbm>> -> memref<16384x128xf32, #tpu.memory_space<hbm>>
      tpu.wait_indirect_dma semaphore(%arg7 : memref<!tpu.dma_semaphore, #tpu.memory_space<semaphore_mem>>) src(%dma_wait3A_15 : memref<16384x128xf32, #tpu.memory_space<hbm>>) dst(%arg6 : memref<512x128xf32, #tpu.memory_space<vmem>>)
      "tpu.region"() ({
        %run_scoped3A = tpu.sem_alloc : memref<!tpu.dma_semaphore, #tpu.memory_space<semaphore_mem>>
        %dma_start3A_16 = arith.constant 0 : i32
        %dma_start3A_17 = tpu.memref_slice %arg4[%add3A_11, %dma_start3A_16] : memref<524288x128xf32, #tpu.memory_space<hbm>> -> memref<512x128xf32, #tpu.memory_space<hbm>>
        %dma_start3A_18 = arith.constant 0 : i32
        %dma_start3A_19 = tpu.memref_slice %arg4[%add3A_11, %dma_start3A_18] : memref<524288x128xf32, #tpu.memory_space<hbm>> -> memref<512x128xf32, #tpu.memory_space<hbm>>
        tpu.enqueue_dma source(%arg6 : memref<512x128xf32, #tpu.memory_space<vmem>>) target(%dma_start3A_19 : memref<512x128xf32, #tpu.memory_space<hbm>>) target_semaphore(%run_scoped3A : memref<!tpu.dma_semaphore, #tpu.memory_space<semaphore_mem>>)
        %dma_wait3A_20 = arith.constant 0 : i32
        %dma_wait3A_21 = tpu.memref_slice %arg4[%add3A_11, %dma_wait3A_20] : memref<524288x128xf32, #tpu.memory_space<hbm>> -> memref<512x128xf32, #tpu.memory_space<hbm>>
        %dma_wait3A_22 = arith.constant 0 : i32
        %dma_wait3A_23 = tpu.memref_slice %arg4[%add3A_11, %dma_wait3A_22] : memref<524288x128xf32, #tpu.memory_space<hbm>> -> memref<512x128xf32, #tpu.memory_space<hbm>>
        tpu.wait_dma2 semaphore(%run_scoped3A : memref<!tpu.dma_semaphore, #tpu.memory_space<semaphore_mem>>) src(%arg6 : memref<512x128xf32, #tpu.memory_space<vmem>>) dst(%dma_wait3A_23 : memref<512x128xf32, #tpu.memory_space<hbm>>)
        tpu.yield
      }) : () -> ()
    }
    %scan3A_7 = arith.constant 32 : i32
    return
  }
}

#map = affine_map<(d0, d1) -> (0, 0)>
#map1 = affine_map<(d0, d1) -> (0)>
module attributes {stable_mosaic.version = 14 : i64} {
  func.func @gk(%arg0: i32, %arg1: i32, %arg2: memref<32768x128xf32, #tpu.memory_space<hbm>>, %arg3: memref<8192xi32, #tpu.memory_space<hbm>>, %arg4: memref<8192x128xf32, #tpu.memory_space<hbm>>, %arg5: memref<256xi32, #tpu.memory_space<vmem>>, %arg6: memref<256x128xf32, #tpu.memory_space<vmem>>, %arg7: memref<!tpu.dma_semaphore, #tpu.memory_space<semaphore_mem>>) attributes {dimension_semantics = [#tpu.dimension_semantics<core_parallel>, #tpu.dimension_semantics<subcore_parallel>], iteration_bounds = array<i64: 2, 16>, scalar_prefetch = 0 : i64, scratch_operands = 3 : i64, tpu.core_type = #tpu.core_type<sc_vector_subcore>, window_params = [{transform_indices = #map}, {transform_indices = #map1}, {transform_indices = #map}]} {
    %mul3A = arith.constant 2 : i32
    %mul3A_0 = arith.muli %arg1, %mul3A : i32
    %add3A = arith.addi %mul3A_0, %arg0 : i32
    %mul3A_1 = arith.constant 256 : i32
    %mul3A_2 = arith.muli %add3A, %mul3A_1 : i32
    %scan3A = arith.constant 0 : i32
    %scan3A_3 = arith.constant 0 : i32
    %mul3A_4 = arith.constant 256 : i32
    %mul3A_5 = arith.muli %scan3A_3, %mul3A_4 : i32
    %add3A_6 = arith.addi %mul3A_2, %mul3A_5 : i32
    "tpu.region"() ({
      %run_scoped3A = tpu.sem_alloc : memref<!tpu.dma_semaphore, #tpu.memory_space<semaphore_mem>>
      %dma_start3A_12 = tpu.memref_slice %arg3[%add3A_6] : memref<8192xi32, #tpu.memory_space<hbm>> -> memref<256xi32, #tpu.memory_space<hbm>>
      %dma_start3A_13 = tpu.memref_slice %arg3[%add3A_6] : memref<8192xi32, #tpu.memory_space<hbm>> -> memref<256xi32, #tpu.memory_space<hbm>>
      tpu.enqueue_dma source(%dma_start3A_13 : memref<256xi32, #tpu.memory_space<hbm>>) target(%arg5 : memref<256xi32, #tpu.memory_space<vmem>>) target_semaphore(%run_scoped3A : memref<!tpu.dma_semaphore, #tpu.memory_space<semaphore_mem>>)
      %dma_wait3A_14 = tpu.memref_slice %arg3[%add3A_6] : memref<8192xi32, #tpu.memory_space<hbm>> -> memref<256xi32, #tpu.memory_space<hbm>>
      %dma_wait3A_15 = tpu.memref_slice %arg3[%add3A_6] : memref<8192xi32, #tpu.memory_space<hbm>> -> memref<256xi32, #tpu.memory_space<hbm>>
      tpu.wait_dma2 semaphore(%run_scoped3A : memref<!tpu.dma_semaphore, #tpu.memory_space<semaphore_mem>>) src(%dma_wait3A_15 : memref<256xi32, #tpu.memory_space<hbm>>) dst(%arg5 : memref<256xi32, #tpu.memory_space<vmem>>)
      tpu.yield
    }) : () -> ()
    %dma_start3A = arith.constant 0 : i32
    %dma_start3A_7 = arith.constant 0 : i32
    %dma_start3A_8 = tpu.memref_slice %arg2[%dma_start3A, %dma_start3A_7] : memref<32768x128xf32, #tpu.memory_space<hbm>> -> memref<32768x128xf32, #tpu.memory_space<hbm>>
    tpu.enqueue_indirect_dma source(%dma_start3A_8 : memref<32768x128xf32, #tpu.memory_space<hbm>>) target(%arg6 : memref<256x128xf32, #tpu.memory_space<vmem>>) offsets(%arg5 : memref<256xi32, #tpu.memory_space<vmem>>) semaphore(%arg7 : memref<!tpu.dma_semaphore, #tpu.memory_space<semaphore_mem>>)
    %dma_wait3A = arith.constant 0 : i32
    %dma_wait3A_9 = arith.constant 0 : i32
    %dma_wait3A_10 = tpu.memref_slice %arg2[%dma_wait3A, %dma_wait3A_9] : memref<32768x128xf32, #tpu.memory_space<hbm>> -> memref<32768x128xf32, #tpu.memory_space<hbm>>
    tpu.wait_indirect_dma semaphore(%arg7 : memref<!tpu.dma_semaphore, #tpu.memory_space<semaphore_mem>>) src(%dma_wait3A_10 : memref<32768x128xf32, #tpu.memory_space<hbm>>) dst(%arg6 : memref<256x128xf32, #tpu.memory_space<vmem>>)
    "tpu.region"() ({
      %run_scoped3A = tpu.sem_alloc : memref<!tpu.dma_semaphore, #tpu.memory_space<semaphore_mem>>
      %dma_start3A_12 = arith.constant 0 : i32
      %dma_start3A_13 = tpu.memref_slice %arg4[%add3A_6, %dma_start3A_12] : memref<8192x128xf32, #tpu.memory_space<hbm>> -> memref<256x128xf32, #tpu.memory_space<hbm>>
      %dma_start3A_14 = arith.constant 0 : i32
      %dma_start3A_15 = tpu.memref_slice %arg4[%add3A_6, %dma_start3A_14] : memref<8192x128xf32, #tpu.memory_space<hbm>> -> memref<256x128xf32, #tpu.memory_space<hbm>>
      tpu.enqueue_dma source(%arg6 : memref<256x128xf32, #tpu.memory_space<vmem>>) target(%dma_start3A_15 : memref<256x128xf32, #tpu.memory_space<hbm>>) target_semaphore(%run_scoped3A : memref<!tpu.dma_semaphore, #tpu.memory_space<semaphore_mem>>)
      %dma_wait3A_16 = arith.constant 0 : i32
      %dma_wait3A_17 = tpu.memref_slice %arg4[%add3A_6, %dma_wait3A_16] : memref<8192x128xf32, #tpu.memory_space<hbm>> -> memref<256x128xf32, #tpu.memory_space<hbm>>
      %dma_wait3A_18 = arith.constant 0 : i32
      %dma_wait3A_19 = tpu.memref_slice %arg4[%add3A_6, %dma_wait3A_18] : memref<8192x128xf32, #tpu.memory_space<hbm>> -> memref<256x128xf32, #tpu.memory_space<hbm>>
      tpu.wait_dma2 semaphore(%run_scoped3A : memref<!tpu.dma_semaphore, #tpu.memory_space<semaphore_mem>>) src(%arg6 : memref<256x128xf32, #tpu.memory_space<vmem>>) dst(%dma_wait3A_19 : memref<256x128xf32, #tpu.memory_space<hbm>>)
      tpu.yield
    }) : () -> ()
    %scan3A_11 = arith.constant 1 : i32
    return
  }
}

module attributes {stable_mosaic.version = 14 : i64} {
  func.func @_knn_body(%arg0: i32, %arg1: i32, %arg2: memref<1xi32, #tpu.memory_space<smem>>, %arg3: memref<1x128x3xf32, #tpu.memory_space<vmem>>, %arg4: memref<1x3x4096xf32, #tpu.memory_space<vmem>>, %arg5: memref<1x1x4096xf32, #tpu.memory_space<vmem>>, %arg6: memref<1x128x16xi32, #tpu.memory_space<vmem>>) attributes {dimension_semantics = [#tpu.dimension_semantics<arbitrary>, #tpu.dimension_semantics<arbitrary>], iteration_bounds = array<i64: 4, 64>, scalar_prefetch = 1 : i64, scratch_operands = 0 : i64, tpu.core_type = #tpu.core_type<tc>, window_params = [{transform_indices = @transform_0, window_bounds = array<i64: 1, 128, 3>}, {transform_indices = @transform_1, window_bounds = array<i64: 1, 3, 4096>}, {transform_indices = @transform_2, window_bounds = array<i64: 1, 1, 4096>}, {transform_indices = @transform_3, window_bounds = array<i64: 1, 128, 16>}]} {
    %mul3A = arith.constant 128 : i32
    %mul3A_0 = arith.muli %arg1, %mul3A : i32
    %get3A = arith.constant 0 : index
    %get3A_1 = memref.load %arg2[%get3A] : memref<1xi32, #tpu.memory_space<smem>>
    %lt3A = arith.cmpi slt, %mul3A_0, %get3A_1 : i32
    %convert_element_type3A = arith.extui %lt3A : i1 to i32
    %cond3A = arith.constant 0 : i32
    %cond3A_2 = arith.cmpi ne, %convert_element_type3A, %cond3A : i32
    scf.if %cond3A_2 {
      %get3A_8 = arith.constant 0 : index
      %get3A_9 = arith.constant 0 : index
      %get3A_10 = arith.constant 0 : index
      %get3A_11 = vector.load %arg3[%get3A_8, %get3A_9, %get3A_10] : memref<1x128x3xf32, #tpu.memory_space<vmem>>, vector<1x128x3xf32>
      %get3A_12 = vector.shape_cast %get3A_11 : vector<1x128x3xf32> to vector<128x3xf32>
      %mul3A_13 = arith.mulf %get3A_12, %get3A_12 : vector<128x3xf32>
      %reduce_sum3A = arith.constant dense<0.000000e+00> : vector<128xf32>
      %reduce_sum3A_14 = vector.multi_reduction <add>, %mul3A_13, %reduce_sum3A [1] : vector<128x3xf32> to vector<128xf32>
      %broadcast_in_dim3A = vector.shape_cast %reduce_sum3A_14 : vector<128xf32> to vector<128x1xf32>
      %get3A_15 = arith.constant 0 : index
      %get3A_16 = arith.constant 0 : index
      %get3A_17 = arith.constant 0 : index
      %get3A_18 = vector.load %arg4[%get3A_15, %get3A_16, %get3A_17] : memref<1x3x4096xf32, #tpu.memory_space<vmem>>, vector<1x3x4096xf32>
      %get3A_19 = vector.shape_cast %get3A_18 : vector<1x3x4096xf32> to vector<3x4096xf32>
      %slice3A = vector.extract_strided_slice %get3A_19 {offsets = [0, 0], sizes = [1, 4096], strides = [1, 1]} : vector<3x4096xf32> to vector<1x4096xf32>
      %slice3A_20 = vector.extract_strided_slice %get3A_19 {offsets = [1, 0], sizes = [1, 4096], strides = [1, 1]} : vector<3x4096xf32> to vector<1x4096xf32>
      %slice3A_21 = vector.extract_strided_slice %get3A_19 {offsets = [2, 0], sizes = [1, 4096], strides = [1, 1]} : vector<3x4096xf32> to vector<1x4096xf32>
      %mul3A_22 = arith.mulf %slice3A, %slice3A : vector<1x4096xf32>
      %mul3A_23 = arith.mulf %slice3A_20, %slice3A_20 : vector<1x4096xf32>
      %add3A = arith.addf %mul3A_22, %mul3A_23 : vector<1x4096xf32>
      %mul3A_24 = arith.mulf %slice3A_21, %slice3A_21 : vector<1x4096xf32>
      %add3A_25 = arith.addf %add3A, %mul3A_24 : vector<1x4096xf32>
      %get3A_26 = arith.constant 0 : index
      %get3A_27 = arith.constant 0 : index
      %get3A_28 = arith.constant 0 : index
      %get3A_29 = vector.load %arg5[%get3A_26, %get3A_27, %get3A_28] : memref<1x1x4096xf32, #tpu.memory_space<vmem>>, vector<1x1x4096xf32>
      %get3A_30 = vector.shape_cast %get3A_29 : vector<1x1x4096xf32> to vector<1x4096xf32>
      %dot_general3A = arith.constant dense<0.000000e+00> : vector<128x4096xf32>
      %dot_general3A_31 = tpu.matmul %get3A_12, %get3A_19, %dot_general3A {dimension_numbers = #tpu.dot_dimension_numbers<[1], [0], [0], [1], [0, 0, 1, 1], [], []>, transpose_lhs_hint = false} : vector<128x3xf32>, vector<3x4096xf32>, vector<128x4096xf32> -> vector<128x4096xf32>
      %add3A_32 = vector.broadcast %broadcast_in_dim3A : vector<128x1xf32> to vector<128x4096xf32>
      %add3A_33 = vector.broadcast %add3A_25 : vector<1x4096xf32> to vector<128x4096xf32>
      %add3A_34 = arith.addf %add3A_32, %add3A_33 : vector<128x4096xf32>
      %mul3A_35 = arith.constant 2.000000e+00 : f32
      %mul3A_36 = vector.broadcast %mul3A_35 : f32 to vector<128x4096xf32>
      %mul3A_37 = arith.mulf %mul3A_36, %dot_general3A_31 : vector<128x4096xf32>
      %sub3A = arith.subf %add3A_34, %mul3A_37 : vector<128x4096xf32>
      %add3A_38 = vector.broadcast %get3A_30 : vector<1x4096xf32> to vector<128x4096xf32>
      %add3A_39 = arith.addf %sub3A, %add3A_38 : vector<128x4096xf32>
      %iota3A = tpu.iota {dimensions = array<i32: 1>} : vector<1x4096xi32>
      %reduce_min3A = arith.constant dense<0x7F800000> : vector<128xf32>
      %reduce_min3A_40 = vector.multi_reduction <minimumf>, %add3A_39, %reduce_min3A [1] : vector<128x4096xf32> to vector<128xf32>
      %broadcast_in_dim3A_41 = vector.shape_cast %reduce_min3A_40 : vector<128xf32> to vector<128x1xf32>
      %eq3A = vector.broadcast %broadcast_in_dim3A_41 : vector<128x1xf32> to vector<128x4096xf32>
      %eq3A_42 = arith.cmpf oeq, %add3A_39, %eq3A : vector<128x4096xf32>
      %jit3A = arith.constant 4096 : i32
      %broadcast_in_dim3A_43 = vector.shape_cast %iota3A : vector<1x4096xi32> to vector<1x4096xi32>
      %broadcast_in_dim3A_44 = vector.broadcast %broadcast_in_dim3A_43 : vector<1x4096xi32> to vector<128x4096xi32>
      %broadcast_in_dim3A_45 = vector.broadcast %jit3A : i32 to vector<128x4096xi32>
      %select_n3A = arith.select %eq3A_42, %broadcast_in_dim3A_44, %broadcast_in_dim3A_45 : vector<128x4096xi1>, vector<128x4096xi32>
      %reduce_min3A_46 = arith.constant dense<2147483647> : vector<128xi32>
      %reduce_min3A_47 = vector.multi_reduction <minsi>, %select_n3A, %reduce_min3A_46 [1] : vector<128x4096xi32> to vector<128xi32>
      %broadcast_in_dim3A_48 = vector.shape_cast %reduce_min3A_47 : vector<128xi32> to vector<128x1xi32>
      %eq3A_49 = vector.broadcast %iota3A : vector<1x4096xi32> to vector<128x4096xi32>
      %eq3A_50 = vector.broadcast %broadcast_in_dim3A_48 : vector<128x1xi32> to vector<128x4096xi32>
      %eq3A_51 = arith.cmpi eq, %eq3A_49, %eq3A_50 : vector<128x4096xi32>
      %jit3A_52 = arith.constant 0x7F800000 : f32
      %broadcast_in_dim3A_53 = vector.broadcast %jit3A_52 : f32 to vector<128x4096xf32>
      %select_n3A_54 = arith.select %eq3A_51, %broadcast_in_dim3A_53, %add3A_39 : vector<128x4096xi1>, vector<128x4096xf32>
      %reduce_min3A_55 = arith.constant dense<0x7F800000> : vector<128xf32>
      %reduce_min3A_56 = vector.multi_reduction <minimumf>, %select_n3A_54, %reduce_min3A_55 [1] : vector<128x4096xf32> to vector<128xf32>
      %broadcast_in_dim3A_57 = vector.shape_cast %reduce_min3A_56 : vector<128xf32> to vector<128x1xf32>
      %eq3A_58 = vector.broadcast %broadcast_in_dim3A_57 : vector<128x1xf32> to vector<128x4096xf32>
      %eq3A_59 = arith.cmpf oeq, %select_n3A_54, %eq3A_58 : vector<128x4096xf32>
      %jit3A_60 = arith.constant 4096 : i32
      %broadcast_in_dim3A_61 = vector.shape_cast %iota3A : vector<1x4096xi32> to vector<1x4096xi32>
      %broadcast_in_dim3A_62 = vector.broadcast %broadcast_in_dim3A_61 : vector<1x4096xi32> to vector<128x4096xi32>
      %broadcast_in_dim3A_63 = vector.broadcast %jit3A_60 : i32 to vector<128x4096xi32>
      %select_n3A_64 = arith.select %eq3A_59, %broadcast_in_dim3A_62, %broadcast_in_dim3A_63 : vector<128x4096xi1>, vector<128x4096xi32>
      %reduce_min3A_65 = arith.constant dense<2147483647> : vector<128xi32>
      %reduce_min3A_66 = vector.multi_reduction <minsi>, %select_n3A_64, %reduce_min3A_65 [1] : vector<128x4096xi32> to vector<128xi32>
      %broadcast_in_dim3A_67 = vector.shape_cast %reduce_min3A_66 : vector<128xi32> to vector<128x1xi32>
      %eq3A_68 = vector.broadcast %iota3A : vector<1x4096xi32> to vector<128x4096xi32>
      %eq3A_69 = vector.broadcast %broadcast_in_dim3A_67 : vector<128x1xi32> to vector<128x4096xi32>
      %eq3A_70 = arith.cmpi eq, %eq3A_68, %eq3A_69 : vector<128x4096xi32>
      %jit3A_71 = arith.constant 0x7F800000 : f32
      %broadcast_in_dim3A_72 = vector.broadcast %jit3A_71 : f32 to vector<128x4096xf32>
      %select_n3A_73 = arith.select %eq3A_70, %broadcast_in_dim3A_72, %select_n3A_54 : vector<128x4096xi1>, vector<128x4096xf32>
      %reduce_min3A_74 = arith.constant dense<0x7F800000> : vector<128xf32>
      %reduce_min3A_75 = vector.multi_reduction <minimumf>, %select_n3A_73, %reduce_min3A_74 [1] : vector<128x4096xf32> to vector<128xf32>
      %broadcast_in_dim3A_76 = vector.shape_cast %reduce_min3A_75 : vector<128xf32> to vector<128x1xf32>
      %eq3A_77 = vector.broadcast %broadcast_in_dim3A_76 : vector<128x1xf32> to vector<128x4096xf32>
      %eq3A_78 = arith.cmpf oeq, %select_n3A_73, %eq3A_77 : vector<128x4096xf32>
      %jit3A_79 = arith.constant 4096 : i32
      %broadcast_in_dim3A_80 = vector.shape_cast %iota3A : vector<1x4096xi32> to vector<1x4096xi32>
      %broadcast_in_dim3A_81 = vector.broadcast %broadcast_in_dim3A_80 : vector<1x4096xi32> to vector<128x4096xi32>
      %broadcast_in_dim3A_82 = vector.broadcast %jit3A_79 : i32 to vector<128x4096xi32>
      %select_n3A_83 = arith.select %eq3A_78, %broadcast_in_dim3A_81, %broadcast_in_dim3A_82 : vector<128x4096xi1>, vector<128x4096xi32>
      %reduce_min3A_84 = arith.constant dense<2147483647> : vector<128xi32>
      %reduce_min3A_85 = vector.multi_reduction <minsi>, %select_n3A_83, %reduce_min3A_84 [1] : vector<128x4096xi32> to vector<128xi32>
      %broadcast_in_dim3A_86 = vector.shape_cast %reduce_min3A_85 : vector<128xi32> to vector<128x1xi32>
      %eq3A_87 = vector.broadcast %iota3A : vector<1x4096xi32> to vector<128x4096xi32>
      %eq3A_88 = vector.broadcast %broadcast_in_dim3A_86 : vector<128x1xi32> to vector<128x4096xi32>
      %eq3A_89 = arith.cmpi eq, %eq3A_87, %eq3A_88 : vector<128x4096xi32>
      %jit3A_90 = arith.constant 0x7F800000 : f32
      %broadcast_in_dim3A_91 = vector.broadcast %jit3A_90 : f32 to vector<128x4096xf32>
      %select_n3A_92 = arith.select %eq3A_89, %broadcast_in_dim3A_91, %select_n3A_73 : vector<128x4096xi1>, vector<128x4096xf32>
      %reduce_min3A_93 = arith.constant dense<0x7F800000> : vector<128xf32>
      %reduce_min3A_94 = vector.multi_reduction <minimumf>, %select_n3A_92, %reduce_min3A_93 [1] : vector<128x4096xf32> to vector<128xf32>
      %broadcast_in_dim3A_95 = vector.shape_cast %reduce_min3A_94 : vector<128xf32> to vector<128x1xf32>
      %eq3A_96 = vector.broadcast %broadcast_in_dim3A_95 : vector<128x1xf32> to vector<128x4096xf32>
      %eq3A_97 = arith.cmpf oeq, %select_n3A_92, %eq3A_96 : vector<128x4096xf32>
      %jit3A_98 = arith.constant 4096 : i32
      %broadcast_in_dim3A_99 = vector.shape_cast %iota3A : vector<1x4096xi32> to vector<1x4096xi32>
      %broadcast_in_dim3A_100 = vector.broadcast %broadcast_in_dim3A_99 : vector<1x4096xi32> to vector<128x4096xi32>
      %broadcast_in_dim3A_101 = vector.broadcast %jit3A_98 : i32 to vector<128x4096xi32>
      %select_n3A_102 = arith.select %eq3A_97, %broadcast_in_dim3A_100, %broadcast_in_dim3A_101 : vector<128x4096xi1>, vector<128x4096xi32>
      %reduce_min3A_103 = arith.constant dense<2147483647> : vector<128xi32>
      %reduce_min3A_104 = vector.multi_reduction <minsi>, %select_n3A_102, %reduce_min3A_103 [1] : vector<128x4096xi32> to vector<128xi32>
      %broadcast_in_dim3A_105 = vector.shape_cast %reduce_min3A_104 : vector<128xi32> to vector<128x1xi32>
      %eq3A_106 = vector.broadcast %iota3A : vector<1x4096xi32> to vector<128x4096xi32>
      %eq3A_107 = vector.broadcast %broadcast_in_dim3A_105 : vector<128x1xi32> to vector<128x4096xi32>
      %eq3A_108 = arith.cmpi eq, %eq3A_106, %eq3A_107 : vector<128x4096xi32>
      %jit3A_109 = arith.constant 0x7F800000 : f32
      %broadcast_in_dim3A_110 = vector.broadcast %jit3A_109 : f32 to vector<128x4096xf32>
      %select_n3A_111 = arith.select %eq3A_108, %broadcast_in_dim3A_110, %select_n3A_92 : vector<128x4096xi1>, vector<128x4096xf32>
      %reduce_min3A_112 = arith.constant dense<0x7F800000> : vector<128xf32>
      %reduce_min3A_113 = vector.multi_reduction <minimumf>, %select_n3A_111, %reduce_min3A_112 [1] : vector<128x4096xf32> to vector<128xf32>
      %broadcast_in_dim3A_114 = vector.shape_cast %reduce_min3A_113 : vector<128xf32> to vector<128x1xf32>
      %eq3A_115 = vector.broadcast %broadcast_in_dim3A_114 : vector<128x1xf32> to vector<128x4096xf32>
      %eq3A_116 = arith.cmpf oeq, %select_n3A_111, %eq3A_115 : vector<128x4096xf32>
      %jit3A_117 = arith.constant 4096 : i32
      %broadcast_in_dim3A_118 = vector.shape_cast %iota3A : vector<1x4096xi32> to vector<1x4096xi32>
      %broadcast_in_dim3A_119 = vector.broadcast %broadcast_in_dim3A_118 : vector<1x4096xi32> to vector<128x4096xi32>
      %broadcast_in_dim3A_120 = vector.broadcast %jit3A_117 : i32 to vector<128x4096xi32>
      %select_n3A_121 = arith.select %eq3A_116, %broadcast_in_dim3A_119, %broadcast_in_dim3A_120 : vector<128x4096xi1>, vector<128x4096xi32>
      %reduce_min3A_122 = arith.constant dense<2147483647> : vector<128xi32>
      %reduce_min3A_123 = vector.multi_reduction <minsi>, %select_n3A_121, %reduce_min3A_122 [1] : vector<128x4096xi32> to vector<128xi32>
      %broadcast_in_dim3A_124 = vector.shape_cast %reduce_min3A_123 : vector<128xi32> to vector<128x1xi32>
      %eq3A_125 = vector.broadcast %iota3A : vector<1x4096xi32> to vector<128x4096xi32>
      %eq3A_126 = vector.broadcast %broadcast_in_dim3A_124 : vector<128x1xi32> to vector<128x4096xi32>
      %eq3A_127 = arith.cmpi eq, %eq3A_125, %eq3A_126 : vector<128x4096xi32>
      %jit3A_128 = arith.constant 0x7F800000 : f32
      %broadcast_in_dim3A_129 = vector.broadcast %jit3A_128 : f32 to vector<128x4096xf32>
      %select_n3A_130 = arith.select %eq3A_127, %broadcast_in_dim3A_129, %select_n3A_111 : vector<128x4096xi1>, vector<128x4096xf32>
      %reduce_min3A_131 = arith.constant dense<0x7F800000> : vector<128xf32>
      %reduce_min3A_132 = vector.multi_reduction <minimumf>, %select_n3A_130, %reduce_min3A_131 [1] : vector<128x4096xf32> to vector<128xf32>
      %broadcast_in_dim3A_133 = vector.shape_cast %reduce_min3A_132 : vector<128xf32> to vector<128x1xf32>
      %eq3A_134 = vector.broadcast %broadcast_in_dim3A_133 : vector<128x1xf32> to vector<128x4096xf32>
      %eq3A_135 = arith.cmpf oeq, %select_n3A_130, %eq3A_134 : vector<128x4096xf32>
      %jit3A_136 = arith.constant 4096 : i32
      %broadcast_in_dim3A_137 = vector.shape_cast %iota3A : vector<1x4096xi32> to vector<1x4096xi32>
      %broadcast_in_dim3A_138 = vector.broadcast %broadcast_in_dim3A_137 : vector<1x4096xi32> to vector<128x4096xi32>
      %broadcast_in_dim3A_139 = vector.broadcast %jit3A_136 : i32 to vector<128x4096xi32>
      %select_n3A_140 = arith.select %eq3A_135, %broadcast_in_dim3A_138, %broadcast_in_dim3A_139 : vector<128x4096xi1>, vector<128x4096xi32>
      %reduce_min3A_141 = arith.constant dense<2147483647> : vector<128xi32>
      %reduce_min3A_142 = vector.multi_reduction <minsi>, %select_n3A_140, %reduce_min3A_141 [1] : vector<128x4096xi32> to vector<128xi32>
      %broadcast_in_dim3A_143 = vector.shape_cast %reduce_min3A_142 : vector<128xi32> to vector<128x1xi32>
      %eq3A_144 = vector.broadcast %iota3A : vector<1x4096xi32> to vector<128x4096xi32>
      %eq3A_145 = vector.broadcast %broadcast_in_dim3A_143 : vector<128x1xi32> to vector<128x4096xi32>
      %eq3A_146 = arith.cmpi eq, %eq3A_144, %eq3A_145 : vector<128x4096xi32>
      %jit3A_147 = arith.constant 0x7F800000 : f32
      %broadcast_in_dim3A_148 = vector.broadcast %jit3A_147 : f32 to vector<128x4096xf32>
      %select_n3A_149 = arith.select %eq3A_146, %broadcast_in_dim3A_148, %select_n3A_130 : vector<128x4096xi1>, vector<128x4096xf32>
      %reduce_min3A_150 = arith.constant dense<0x7F800000> : vector<128xf32>
      %reduce_min3A_151 = vector.multi_reduction <minimumf>, %select_n3A_149, %reduce_min3A_150 [1] : vector<128x4096xf32> to vector<128xf32>
      %broadcast_in_dim3A_152 = vector.shape_cast %reduce_min3A_151 : vector<128xf32> to vector<128x1xf32>
      %eq3A_153 = vector.broadcast %broadcast_in_dim3A_152 : vector<128x1xf32> to vector<128x4096xf32>
      %eq3A_154 = arith.cmpf oeq, %select_n3A_149, %eq3A_153 : vector<128x4096xf32>
      %jit3A_155 = arith.constant 4096 : i32
      %broadcast_in_dim3A_156 = vector.shape_cast %iota3A : vector<1x4096xi32> to vector<1x4096xi32>
      %broadcast_in_dim3A_157 = vector.broadcast %broadcast_in_dim3A_156 : vector<1x4096xi32> to vector<128x4096xi32>
      %broadcast_in_dim3A_158 = vector.broadcast %jit3A_155 : i32 to vector<128x4096xi32>
      %select_n3A_159 = arith.select %eq3A_154, %broadcast_in_dim3A_157, %broadcast_in_dim3A_158 : vector<128x4096xi1>, vector<128x4096xi32>
      %reduce_min3A_160 = arith.constant dense<2147483647> : vector<128xi32>
      %reduce_min3A_161 = vector.multi_reduction <minsi>, %select_n3A_159, %reduce_min3A_160 [1] : vector<128x4096xi32> to vector<128xi32>
      %broadcast_in_dim3A_162 = vector.shape_cast %reduce_min3A_161 : vector<128xi32> to vector<128x1xi32>
      %eq3A_163 = vector.broadcast %iota3A : vector<1x4096xi32> to vector<128x4096xi32>
      %eq3A_164 = vector.broadcast %broadcast_in_dim3A_162 : vector<128x1xi32> to vector<128x4096xi32>
      %eq3A_165 = arith.cmpi eq, %eq3A_163, %eq3A_164 : vector<128x4096xi32>
      %jit3A_166 = arith.constant 0x7F800000 : f32
      %broadcast_in_dim3A_167 = vector.broadcast %jit3A_166 : f32 to vector<128x4096xf32>
      %select_n3A_168 = arith.select %eq3A_165, %broadcast_in_dim3A_167, %select_n3A_149 : vector<128x4096xi1>, vector<128x4096xf32>
      %reduce_min3A_169 = arith.constant dense<0x7F800000> : vector<128xf32>
      %reduce_min3A_170 = vector.multi_reduction <minimumf>, %select_n3A_168, %reduce_min3A_169 [1] : vector<128x4096xf32> to vector<128xf32>
      %broadcast_in_dim3A_171 = vector.shape_cast %reduce_min3A_170 : vector<128xf32> to vector<128x1xf32>
      %eq3A_172 = vector.broadcast %broadcast_in_dim3A_171 : vector<128x1xf32> to vector<128x4096xf32>
      %eq3A_173 = arith.cmpf oeq, %select_n3A_168, %eq3A_172 : vector<128x4096xf32>
      %jit3A_174 = arith.constant 4096 : i32
      %broadcast_in_dim3A_175 = vector.shape_cast %iota3A : vector<1x4096xi32> to vector<1x4096xi32>
      %broadcast_in_dim3A_176 = vector.broadcast %broadcast_in_dim3A_175 : vector<1x4096xi32> to vector<128x4096xi32>
      %broadcast_in_dim3A_177 = vector.broadcast %jit3A_174 : i32 to vector<128x4096xi32>
      %select_n3A_178 = arith.select %eq3A_173, %broadcast_in_dim3A_176, %broadcast_in_dim3A_177 : vector<128x4096xi1>, vector<128x4096xi32>
      %reduce_min3A_179 = arith.constant dense<2147483647> : vector<128xi32>
      %reduce_min3A_180 = vector.multi_reduction <minsi>, %select_n3A_178, %reduce_min3A_179 [1] : vector<128x4096xi32> to vector<128xi32>
      %broadcast_in_dim3A_181 = vector.shape_cast %reduce_min3A_180 : vector<128xi32> to vector<128x1xi32>
      %eq3A_182 = vector.broadcast %iota3A : vector<1x4096xi32> to vector<128x4096xi32>
      %eq3A_183 = vector.broadcast %broadcast_in_dim3A_181 : vector<128x1xi32> to vector<128x4096xi32>
      %eq3A_184 = arith.cmpi eq, %eq3A_182, %eq3A_183 : vector<128x4096xi32>
      %jit3A_185 = arith.constant 0x7F800000 : f32
      %broadcast_in_dim3A_186 = vector.broadcast %jit3A_185 : f32 to vector<128x4096xf32>
      %select_n3A_187 = arith.select %eq3A_184, %broadcast_in_dim3A_186, %select_n3A_168 : vector<128x4096xi1>, vector<128x4096xf32>
      %reduce_min3A_188 = arith.constant dense<0x7F800000> : vector<128xf32>
      %reduce_min3A_189 = vector.multi_reduction <minimumf>, %select_n3A_187, %reduce_min3A_188 [1] : vector<128x4096xf32> to vector<128xf32>
      %broadcast_in_dim3A_190 = vector.shape_cast %reduce_min3A_189 : vector<128xf32> to vector<128x1xf32>
      %eq3A_191 = vector.broadcast %broadcast_in_dim3A_190 : vector<128x1xf32> to vector<128x4096xf32>
      %eq3A_192 = arith.cmpf oeq, %select_n3A_187, %eq3A_191 : vector<128x4096xf32>
      %jit3A_193 = arith.constant 4096 : i32
      %broadcast_in_dim3A_194 = vector.shape_cast %iota3A : vector<1x4096xi32> to vector<1x4096xi32>
      %broadcast_in_dim3A_195 = vector.broadcast %broadcast_in_dim3A_194 : vector<1x4096xi32> to vector<128x4096xi32>
      %broadcast_in_dim3A_196 = vector.broadcast %jit3A_193 : i32 to vector<128x4096xi32>
      %select_n3A_197 = arith.select %eq3A_192, %broadcast_in_dim3A_195, %broadcast_in_dim3A_196 : vector<128x4096xi1>, vector<128x4096xi32>
      %reduce_min3A_198 = arith.constant dense<2147483647> : vector<128xi32>
      %reduce_min3A_199 = vector.multi_reduction <minsi>, %select_n3A_197, %reduce_min3A_198 [1] : vector<128x4096xi32> to vector<128xi32>
      %broadcast_in_dim3A_200 = vector.shape_cast %reduce_min3A_199 : vector<128xi32> to vector<128x1xi32>
      %eq3A_201 = vector.broadcast %iota3A : vector<1x4096xi32> to vector<128x4096xi32>
      %eq3A_202 = vector.broadcast %broadcast_in_dim3A_200 : vector<128x1xi32> to vector<128x4096xi32>
      %eq3A_203 = arith.cmpi eq, %eq3A_201, %eq3A_202 : vector<128x4096xi32>
      %jit3A_204 = arith.constant 0x7F800000 : f32
      %broadcast_in_dim3A_205 = vector.broadcast %jit3A_204 : f32 to vector<128x4096xf32>
      %select_n3A_206 = arith.select %eq3A_203, %broadcast_in_dim3A_205, %select_n3A_187 : vector<128x4096xi1>, vector<128x4096xf32>
      %reduce_min3A_207 = arith.constant dense<0x7F800000> : vector<128xf32>
      %reduce_min3A_208 = vector.multi_reduction <minimumf>, %select_n3A_206, %reduce_min3A_207 [1] : vector<128x4096xf32> to vector<128xf32>
      %broadcast_in_dim3A_209 = vector.shape_cast %reduce_min3A_208 : vector<128xf32> to vector<128x1xf32>
      %eq3A_210 = vector.broadcast %broadcast_in_dim3A_209 : vector<128x1xf32> to vector<128x4096xf32>
      %eq3A_211 = arith.cmpf oeq, %select_n3A_206, %eq3A_210 : vector<128x4096xf32>
      %jit3A_212 = arith.constant 4096 : i32
      %broadcast_in_dim3A_213 = vector.shape_cast %iota3A : vector<1x4096xi32> to vector<1x4096xi32>
      %broadcast_in_dim3A_214 = vector.broadcast %broadcast_in_dim3A_213 : vector<1x4096xi32> to vector<128x4096xi32>
      %broadcast_in_dim3A_215 = vector.broadcast %jit3A_212 : i32 to vector<128x4096xi32>
      %select_n3A_216 = arith.select %eq3A_211, %broadcast_in_dim3A_214, %broadcast_in_dim3A_215 : vector<128x4096xi1>, vector<128x4096xi32>
      %reduce_min3A_217 = arith.constant dense<2147483647> : vector<128xi32>
      %reduce_min3A_218 = vector.multi_reduction <minsi>, %select_n3A_216, %reduce_min3A_217 [1] : vector<128x4096xi32> to vector<128xi32>
      %broadcast_in_dim3A_219 = vector.shape_cast %reduce_min3A_218 : vector<128xi32> to vector<128x1xi32>
      %eq3A_220 = vector.broadcast %iota3A : vector<1x4096xi32> to vector<128x4096xi32>
      %eq3A_221 = vector.broadcast %broadcast_in_dim3A_219 : vector<128x1xi32> to vector<128x4096xi32>
      %eq3A_222 = arith.cmpi eq, %eq3A_220, %eq3A_221 : vector<128x4096xi32>
      %jit3A_223 = arith.constant 0x7F800000 : f32
      %broadcast_in_dim3A_224 = vector.broadcast %jit3A_223 : f32 to vector<128x4096xf32>
      %select_n3A_225 = arith.select %eq3A_222, %broadcast_in_dim3A_224, %select_n3A_206 : vector<128x4096xi1>, vector<128x4096xf32>
      %reduce_min3A_226 = arith.constant dense<0x7F800000> : vector<128xf32>
      %reduce_min3A_227 = vector.multi_reduction <minimumf>, %select_n3A_225, %reduce_min3A_226 [1] : vector<128x4096xf32> to vector<128xf32>
      %broadcast_in_dim3A_228 = vector.shape_cast %reduce_min3A_227 : vector<128xf32> to vector<128x1xf32>
      %eq3A_229 = vector.broadcast %broadcast_in_dim3A_228 : vector<128x1xf32> to vector<128x4096xf32>
      %eq3A_230 = arith.cmpf oeq, %select_n3A_225, %eq3A_229 : vector<128x4096xf32>
      %jit3A_231 = arith.constant 4096 : i32
      %broadcast_in_dim3A_232 = vector.shape_cast %iota3A : vector<1x4096xi32> to vector<1x4096xi32>
      %broadcast_in_dim3A_233 = vector.broadcast %broadcast_in_dim3A_232 : vector<1x4096xi32> to vector<128x4096xi32>
      %broadcast_in_dim3A_234 = vector.broadcast %jit3A_231 : i32 to vector<128x4096xi32>
      %select_n3A_235 = arith.select %eq3A_230, %broadcast_in_dim3A_233, %broadcast_in_dim3A_234 : vector<128x4096xi1>, vector<128x4096xi32>
      %reduce_min3A_236 = arith.constant dense<2147483647> : vector<128xi32>
      %reduce_min3A_237 = vector.multi_reduction <minsi>, %select_n3A_235, %reduce_min3A_236 [1] : vector<128x4096xi32> to vector<128xi32>
      %broadcast_in_dim3A_238 = vector.shape_cast %reduce_min3A_237 : vector<128xi32> to vector<128x1xi32>
      %eq3A_239 = vector.broadcast %iota3A : vector<1x4096xi32> to vector<128x4096xi32>
      %eq3A_240 = vector.broadcast %broadcast_in_dim3A_238 : vector<128x1xi32> to vector<128x4096xi32>
      %eq3A_241 = arith.cmpi eq, %eq3A_239, %eq3A_240 : vector<128x4096xi32>
      %jit3A_242 = arith.constant 0x7F800000 : f32
      %broadcast_in_dim3A_243 = vector.broadcast %jit3A_242 : f32 to vector<128x4096xf32>
      %select_n3A_244 = arith.select %eq3A_241, %broadcast_in_dim3A_243, %select_n3A_225 : vector<128x4096xi1>, vector<128x4096xf32>
      %reduce_min3A_245 = arith.constant dense<0x7F800000> : vector<128xf32>
      %reduce_min3A_246 = vector.multi_reduction <minimumf>, %select_n3A_244, %reduce_min3A_245 [1] : vector<128x4096xf32> to vector<128xf32>
      %broadcast_in_dim3A_247 = vector.shape_cast %reduce_min3A_246 : vector<128xf32> to vector<128x1xf32>
      %eq3A_248 = vector.broadcast %broadcast_in_dim3A_247 : vector<128x1xf32> to vector<128x4096xf32>
      %eq3A_249 = arith.cmpf oeq, %select_n3A_244, %eq3A_248 : vector<128x4096xf32>
      %jit3A_250 = arith.constant 4096 : i32
      %broadcast_in_dim3A_251 = vector.shape_cast %iota3A : vector<1x4096xi32> to vector<1x4096xi32>
      %broadcast_in_dim3A_252 = vector.broadcast %broadcast_in_dim3A_251 : vector<1x4096xi32> to vector<128x4096xi32>
      %broadcast_in_dim3A_253 = vector.broadcast %jit3A_250 : i32 to vector<128x4096xi32>
      %select_n3A_254 = arith.select %eq3A_249, %broadcast_in_dim3A_252, %broadcast_in_dim3A_253 : vector<128x4096xi1>, vector<128x4096xi32>
      %reduce_min3A_255 = arith.constant dense<2147483647> : vector<128xi32>
      %reduce_min3A_256 = vector.multi_reduction <minsi>, %select_n3A_254, %reduce_min3A_255 [1] : vector<128x4096xi32> to vector<128xi32>
      %broadcast_in_dim3A_257 = vector.shape_cast %reduce_min3A_256 : vector<128xi32> to vector<128x1xi32>
      %eq3A_258 = vector.broadcast %iota3A : vector<1x4096xi32> to vector<128x4096xi32>
      %eq3A_259 = vector.broadcast %broadcast_in_dim3A_257 : vector<128x1xi32> to vector<128x4096xi32>
      %eq3A_260 = arith.cmpi eq, %eq3A_258, %eq3A_259 : vector<128x4096xi32>
      %jit3A_261 = arith.constant 0x7F800000 : f32
      %broadcast_in_dim3A_262 = vector.broadcast %jit3A_261 : f32 to vector<128x4096xf32>
      %select_n3A_263 = arith.select %eq3A_260, %broadcast_in_dim3A_262, %select_n3A_244 : vector<128x4096xi1>, vector<128x4096xf32>
      %reduce_min3A_264 = arith.constant dense<0x7F800000> : vector<128xf32>
      %reduce_min3A_265 = vector.multi_reduction <minimumf>, %select_n3A_263, %reduce_min3A_264 [1] : vector<128x4096xf32> to vector<128xf32>
      %broadcast_in_dim3A_266 = vector.shape_cast %reduce_min3A_265 : vector<128xf32> to vector<128x1xf32>
      %eq3A_267 = vector.broadcast %broadcast_in_dim3A_266 : vector<128x1xf32> to vector<128x4096xf32>
      %eq3A_268 = arith.cmpf oeq, %select_n3A_263, %eq3A_267 : vector<128x4096xf32>
      %jit3A_269 = arith.constant 4096 : i32
      %broadcast_in_dim3A_270 = vector.shape_cast %iota3A : vector<1x4096xi32> to vector<1x4096xi32>
      %broadcast_in_dim3A_271 = vector.broadcast %broadcast_in_dim3A_270 : vector<1x4096xi32> to vector<128x4096xi32>
      %broadcast_in_dim3A_272 = vector.broadcast %jit3A_269 : i32 to vector<128x4096xi32>
      %select_n3A_273 = arith.select %eq3A_268, %broadcast_in_dim3A_271, %broadcast_in_dim3A_272 : vector<128x4096xi1>, vector<128x4096xi32>
      %reduce_min3A_274 = arith.constant dense<2147483647> : vector<128xi32>
      %reduce_min3A_275 = vector.multi_reduction <minsi>, %select_n3A_273, %reduce_min3A_274 [1] : vector<128x4096xi32> to vector<128xi32>
      %broadcast_in_dim3A_276 = vector.shape_cast %reduce_min3A_275 : vector<128xi32> to vector<128x1xi32>
      %eq3A_277 = vector.broadcast %iota3A : vector<1x4096xi32> to vector<128x4096xi32>
      %eq3A_278 = vector.broadcast %broadcast_in_dim3A_276 : vector<128x1xi32> to vector<128x4096xi32>
      %eq3A_279 = arith.cmpi eq, %eq3A_277, %eq3A_278 : vector<128x4096xi32>
      %jit3A_280 = arith.constant 0x7F800000 : f32
      %broadcast_in_dim3A_281 = vector.broadcast %jit3A_280 : f32 to vector<128x4096xf32>
      %select_n3A_282 = arith.select %eq3A_279, %broadcast_in_dim3A_281, %select_n3A_263 : vector<128x4096xi1>, vector<128x4096xf32>
      %reduce_min3A_283 = arith.constant dense<0x7F800000> : vector<128xf32>
      %reduce_min3A_284 = vector.multi_reduction <minimumf>, %select_n3A_282, %reduce_min3A_283 [1] : vector<128x4096xf32> to vector<128xf32>
      %broadcast_in_dim3A_285 = vector.shape_cast %reduce_min3A_284 : vector<128xf32> to vector<128x1xf32>
      %eq3A_286 = vector.broadcast %broadcast_in_dim3A_285 : vector<128x1xf32> to vector<128x4096xf32>
      %eq3A_287 = arith.cmpf oeq, %select_n3A_282, %eq3A_286 : vector<128x4096xf32>
      %jit3A_288 = arith.constant 4096 : i32
      %broadcast_in_dim3A_289 = vector.shape_cast %iota3A : vector<1x4096xi32> to vector<1x4096xi32>
      %broadcast_in_dim3A_290 = vector.broadcast %broadcast_in_dim3A_289 : vector<1x4096xi32> to vector<128x4096xi32>
      %broadcast_in_dim3A_291 = vector.broadcast %jit3A_288 : i32 to vector<128x4096xi32>
      %select_n3A_292 = arith.select %eq3A_287, %broadcast_in_dim3A_290, %broadcast_in_dim3A_291 : vector<128x4096xi1>, vector<128x4096xi32>
      %reduce_min3A_293 = arith.constant dense<2147483647> : vector<128xi32>
      %reduce_min3A_294 = vector.multi_reduction <minsi>, %select_n3A_292, %reduce_min3A_293 [1] : vector<128x4096xi32> to vector<128xi32>
      %broadcast_in_dim3A_295 = vector.shape_cast %reduce_min3A_294 : vector<128xi32> to vector<128x1xi32>
      %eq3A_296 = vector.broadcast %iota3A : vector<1x4096xi32> to vector<128x4096xi32>
      %eq3A_297 = vector.broadcast %broadcast_in_dim3A_295 : vector<128x1xi32> to vector<128x4096xi32>
      %eq3A_298 = arith.cmpi eq, %eq3A_296, %eq3A_297 : vector<128x4096xi32>
      %jit3A_299 = arith.constant 0x7F800000 : f32
      %broadcast_in_dim3A_300 = vector.broadcast %jit3A_299 : f32 to vector<128x4096xf32>
      %select_n3A_301 = arith.select %eq3A_298, %broadcast_in_dim3A_300, %select_n3A_282 : vector<128x4096xi1>, vector<128x4096xf32>
      %reduce_min3A_302 = arith.constant dense<0x7F800000> : vector<128xf32>
      %reduce_min3A_303 = vector.multi_reduction <minimumf>, %select_n3A_301, %reduce_min3A_302 [1] : vector<128x4096xf32> to vector<128xf32>
      %broadcast_in_dim3A_304 = vector.shape_cast %reduce_min3A_303 : vector<128xf32> to vector<128x1xf32>
      %eq3A_305 = vector.broadcast %broadcast_in_dim3A_304 : vector<128x1xf32> to vector<128x4096xf32>
      %eq3A_306 = arith.cmpf oeq, %select_n3A_301, %eq3A_305 : vector<128x4096xf32>
      %jit3A_307 = arith.constant 4096 : i32
      %broadcast_in_dim3A_308 = vector.shape_cast %iota3A : vector<1x4096xi32> to vector<1x4096xi32>
      %broadcast_in_dim3A_309 = vector.broadcast %broadcast_in_dim3A_308 : vector<1x4096xi32> to vector<128x4096xi32>
      %broadcast_in_dim3A_310 = vector.broadcast %jit3A_307 : i32 to vector<128x4096xi32>
      %select_n3A_311 = arith.select %eq3A_306, %broadcast_in_dim3A_309, %broadcast_in_dim3A_310 : vector<128x4096xi1>, vector<128x4096xi32>
      %reduce_min3A_312 = arith.constant dense<2147483647> : vector<128xi32>
      %reduce_min3A_313 = vector.multi_reduction <minsi>, %select_n3A_311, %reduce_min3A_312 [1] : vector<128x4096xi32> to vector<128xi32>
      %broadcast_in_dim3A_314 = vector.shape_cast %reduce_min3A_313 : vector<128xi32> to vector<128x1xi32>
      %eq3A_315 = vector.broadcast %iota3A : vector<1x4096xi32> to vector<128x4096xi32>
      %eq3A_316 = vector.broadcast %broadcast_in_dim3A_314 : vector<128x1xi32> to vector<128x4096xi32>
      %eq3A_317 = arith.cmpi eq, %eq3A_315, %eq3A_316 : vector<128x4096xi32>
      %jit3A_318 = arith.constant 0x7F800000 : f32
      %broadcast_in_dim3A_319 = vector.broadcast %jit3A_318 : f32 to vector<128x4096xf32>
      %select_n3A_320 = arith.select %eq3A_317, %broadcast_in_dim3A_319, %select_n3A_301 : vector<128x4096xi1>, vector<128x4096xf32>
      %reduce_min3A_321 = arith.constant dense<0x7F800000> : vector<128xf32>
      %reduce_min3A_322 = vector.multi_reduction <minimumf>, %select_n3A_320, %reduce_min3A_321 [1] : vector<128x4096xf32> to vector<128xf32>
      %broadcast_in_dim3A_323 = vector.shape_cast %reduce_min3A_322 : vector<128xf32> to vector<128x1xf32>
      %eq3A_324 = vector.broadcast %broadcast_in_dim3A_323 : vector<128x1xf32> to vector<128x4096xf32>
      %eq3A_325 = arith.cmpf oeq, %select_n3A_320, %eq3A_324 : vector<128x4096xf32>
      %jit3A_326 = arith.constant 4096 : i32
      %broadcast_in_dim3A_327 = vector.shape_cast %iota3A : vector<1x4096xi32> to vector<1x4096xi32>
      %broadcast_in_dim3A_328 = vector.broadcast %broadcast_in_dim3A_327 : vector<1x4096xi32> to vector<128x4096xi32>
      %broadcast_in_dim3A_329 = vector.broadcast %jit3A_326 : i32 to vector<128x4096xi32>
      %select_n3A_330 = arith.select %eq3A_325, %broadcast_in_dim3A_328, %broadcast_in_dim3A_329 : vector<128x4096xi1>, vector<128x4096xi32>
      %reduce_min3A_331 = arith.constant dense<2147483647> : vector<128xi32>
      %reduce_min3A_332 = vector.multi_reduction <minsi>, %select_n3A_330, %reduce_min3A_331 [1] : vector<128x4096xi32> to vector<128xi32>
      %broadcast_in_dim3A_333 = vector.shape_cast %reduce_min3A_332 : vector<128xi32> to vector<128x1xi32>
      %concatenate3A = tpu.concatenate %broadcast_in_dim3A_48, %broadcast_in_dim3A_67, %broadcast_in_dim3A_86, %broadcast_in_dim3A_105, %broadcast_in_dim3A_124, %broadcast_in_dim3A_143, %broadcast_in_dim3A_162, %broadcast_in_dim3A_181, %broadcast_in_dim3A_200, %broadcast_in_dim3A_219, %broadcast_in_dim3A_238, %broadcast_in_dim3A_257, %broadcast_in_dim3A_276, %broadcast_in_dim3A_295, %broadcast_in_dim3A_314, %broadcast_in_dim3A_333 in 1 : vector<128x1xi32>, vector<128x1xi32>, vector<128x1xi32>, vector<128x1xi32>, vector<128x1xi32>, vector<128x1xi32>, vector<128x1xi32>, vector<128x1xi32>, vector<128x1xi32>, vector<128x1xi32>, vector<128x1xi32>, vector<128x1xi32>, vector<128x1xi32>, vector<128x1xi32>, vector<128x1xi32>, vector<128x1xi32> -> vector<128x16xi32>
      %swap3A = arith.constant 0 : index
      %swap3A_334 = arith.constant 0 : index
      %swap3A_335 = arith.constant 0 : index
      %swap3A_336 = vector.load %arg6[%swap3A, %swap3A_334, %swap3A_335] : memref<1x128x16xi32, #tpu.memory_space<vmem>>, vector<1x128x16xi32>
      %swap3A_337 = vector.shape_cast %swap3A_336 : vector<1x128x16xi32> to vector<128x16xi32>
      %swap3A_338 = vector.shape_cast %concatenate3A : vector<128x16xi32> to vector<1x128x16xi32>
      tpu.vector_store %arg6[%swap3A, %swap3A_334, %swap3A_335], %swap3A_338 {strides = array<i32>} : memref<1x128x16xi32, #tpu.memory_space<vmem>>, vector<1x128x16xi32>,
    } else {
    }
    %get3A_3 = arith.constant 0 : index
    %get3A_4 = memref.load %arg2[%get3A_3] : memref<1xi32, #tpu.memory_space<smem>>
    %ge3A = arith.cmpi sge, %mul3A_0, %get3A_4 : i32
    %convert_element_type3A_5 = arith.extui %ge3A : i1 to i32
    %cond3A_6 = arith.constant 0 : i32
    %cond3A_7 = arith.cmpi ne, %convert_element_type3A_5, %cond3A_6 : i32
    scf.if %cond3A_7 {
      %broadcast_in_dim3A = arith.constant 0 : i32
      %broadcast_in_dim3A_8 = vector.broadcast %broadcast_in_dim3A : i32 to vector<128x16xi32>
      %swap3A = arith.constant 0 : index
      %swap3A_9 = arith.constant 0 : index
      %swap3A_10 = arith.constant 0 : index
      %swap3A_11 = vector.load %arg6[%swap3A, %swap3A_9, %swap3A_10] : memref<1x128x16xi32, #tpu.memory_space<vmem>>, vector<1x128x16xi32>
      %swap3A_12 = vector.shape_cast %swap3A_11 : vector<1x128x16xi32> to vector<128x16xi32>
      %swap3A_13 = vector.shape_cast %broadcast_in_dim3A_8 : vector<128x16xi32> to vector<1x128x16xi32>
      tpu.vector_store %arg6[%swap3A, %swap3A_9, %swap3A_10], %swap3A_13 {strides = array<i32>} : memref<1x128x16xi32, #tpu.memory_space<vmem>>, vector<1x128x16xi32>,
    } else {
    }
    return
  }
  func.func @transform_0(%arg0: i32, %arg1: i32, %arg2: memref<1xi32, #tpu.memory_space<smem>>) -> (i32, i32, i32) {
    %c0_i32 = arith.constant 0 : i32
    %c0_i32_0 = arith.constant 0 : i32
    return %arg0, %arg1, %c0_i32 : i32, i32, i32
  }
  func.func @transform_1(%arg0: i32, %arg1: i32, %arg2: memref<1xi32, #tpu.memory_space<smem>>) -> (i32, i32, i32) {
    %c0_i32 = arith.constant 0 : i32
    %c0_i32_0 = arith.constant 0 : i32
    %c0_i32_1 = arith.constant 0 : i32
    return %arg0, %c0_i32, %c0_i32_0 : i32, i32, i32
  }
  func.func @transform_2(%arg0: i32, %arg1: i32, %arg2: memref<1xi32, #tpu.memory_space<smem>>) -> (i32, i32, i32) {
    %c0_i32 = arith.constant 0 : i32
    %c0_i32_0 = arith.constant 0 : i32
    %c0_i32_1 = arith.constant 0 : i32
    return %arg0, %c0_i32, %c0_i32_0 : i32, i32, i32
  }
  func.func @transform_3(%arg0: i32, %arg1: i32, %arg2: memref<1xi32, #tpu.memory_space<smem>>) -> (i32, i32, i32) {
    %c0_i32 = arith.constant 0 : i32
    %c0_i32_0 = arith.constant 0 : i32
    return %arg0, %arg1, %c0_i32 : i32, i32, i32
  }
}

module attributes {stable_mosaic.version = 14 : i64} {
  func.func @_knn_body(%arg0: i32, %arg1: i32, %arg2: memref<1xi32, #tpu.memory_space<smem>>, %arg3: memref<1x128x3xf32, #tpu.memory_space<vmem>>, %arg4: memref<1x3x8192xf32, #tpu.memory_space<vmem>>, %arg5: memref<1x1x8192xf32, #tpu.memory_space<vmem>>, %arg6: memref<1x128x16xi32, #tpu.memory_space<vmem>>) attributes {dimension_semantics = [#tpu.dimension_semantics<arbitrary>, #tpu.dimension_semantics<arbitrary>], iteration_bounds = array<i64: 4, 64>, scalar_prefetch = 1 : i64, scratch_operands = 0 : i64, tpu.core_type = #tpu.core_type<tc>, window_params = [{transform_indices = @transform_0, window_bounds = array<i64: 1, 128, 3>}, {transform_indices = @transform_1, window_bounds = array<i64: 1, 3, 8192>}, {transform_indices = @transform_2, window_bounds = array<i64: 1, 1, 8192>}, {transform_indices = @transform_3, window_bounds = array<i64: 1, 128, 16>}]} {
    %mul3A = arith.constant 128 : i32
    %mul3A_0 = arith.muli %arg1, %mul3A : i32
    %get3A = arith.constant 0 : index
    %get3A_1 = memref.load %arg2[%get3A] : memref<1xi32, #tpu.memory_space<smem>>
    %lt3A = arith.cmpi slt, %mul3A_0, %get3A_1 : i32
    %convert_element_type3A = arith.extui %lt3A : i1 to i32
    %cond3A = arith.constant 0 : i32
    %cond3A_2 = arith.cmpi ne, %convert_element_type3A, %cond3A : i32
    scf.if %cond3A_2 {
      %get3A_8 = arith.constant 0 : index
      %get3A_9 = arith.constant 0 : index
      %get3A_10 = arith.constant 0 : index
      %get3A_11 = vector.load %arg3[%get3A_8, %get3A_9, %get3A_10] : memref<1x128x3xf32, #tpu.memory_space<vmem>>, vector<1x128x3xf32>
      %get3A_12 = vector.shape_cast %get3A_11 : vector<1x128x3xf32> to vector<128x3xf32>
      %mul3A_13 = arith.mulf %get3A_12, %get3A_12 : vector<128x3xf32>
      %reduce_sum3A = arith.constant dense<0.000000e+00> : vector<128xf32>
      %reduce_sum3A_14 = vector.multi_reduction <add>, %mul3A_13, %reduce_sum3A [1] : vector<128x3xf32> to vector<128xf32>
      %broadcast_in_dim3A = vector.shape_cast %reduce_sum3A_14 : vector<128xf32> to vector<128x1xf32>
      %get3A_15 = arith.constant 0 : index
      %get3A_16 = arith.constant 0 : index
      %get3A_17 = arith.constant 0 : index
      %get3A_18 = vector.load %arg4[%get3A_15, %get3A_16, %get3A_17] : memref<1x3x8192xf32, #tpu.memory_space<vmem>>, vector<1x3x8192xf32>
      %get3A_19 = vector.shape_cast %get3A_18 : vector<1x3x8192xf32> to vector<3x8192xf32>
      %slice3A = vector.extract_strided_slice %get3A_19 {offsets = [0, 0], sizes = [1, 8192], strides = [1, 1]} : vector<3x8192xf32> to vector<1x8192xf32>
      %slice3A_20 = vector.extract_strided_slice %get3A_19 {offsets = [1, 0], sizes = [1, 8192], strides = [1, 1]} : vector<3x8192xf32> to vector<1x8192xf32>
      %slice3A_21 = vector.extract_strided_slice %get3A_19 {offsets = [2, 0], sizes = [1, 8192], strides = [1, 1]} : vector<3x8192xf32> to vector<1x8192xf32>
      %mul3A_22 = arith.mulf %slice3A, %slice3A : vector<1x8192xf32>
      %mul3A_23 = arith.mulf %slice3A_20, %slice3A_20 : vector<1x8192xf32>
      %add3A = arith.addf %mul3A_22, %mul3A_23 : vector<1x8192xf32>
      %mul3A_24 = arith.mulf %slice3A_21, %slice3A_21 : vector<1x8192xf32>
      %add3A_25 = arith.addf %add3A, %mul3A_24 : vector<1x8192xf32>
      %get3A_26 = arith.constant 0 : index
      %get3A_27 = arith.constant 0 : index
      %get3A_28 = arith.constant 0 : index
      %get3A_29 = vector.load %arg5[%get3A_26, %get3A_27, %get3A_28] : memref<1x1x8192xf32, #tpu.memory_space<vmem>>, vector<1x1x8192xf32>
      %get3A_30 = vector.shape_cast %get3A_29 : vector<1x1x8192xf32> to vector<1x8192xf32>
      %dot_general3A = arith.constant dense<0.000000e+00> : vector<128x8192xf32>
      %dot_general3A_31 = tpu.matmul %get3A_12, %get3A_19, %dot_general3A {dimension_numbers = #tpu.dot_dimension_numbers<[1], [0], [0], [1], [0, 0, 1, 1], [], []>, transpose_lhs_hint = false} : vector<128x3xf32>, vector<3x8192xf32>, vector<128x8192xf32> -> vector<128x8192xf32>
      %add3A_32 = vector.broadcast %broadcast_in_dim3A : vector<128x1xf32> to vector<128x8192xf32>
      %add3A_33 = vector.broadcast %add3A_25 : vector<1x8192xf32> to vector<128x8192xf32>
      %add3A_34 = arith.addf %add3A_32, %add3A_33 : vector<128x8192xf32>
      %mul3A_35 = arith.constant 2.000000e+00 : f32
      %mul3A_36 = vector.broadcast %mul3A_35 : f32 to vector<128x8192xf32>
      %mul3A_37 = arith.mulf %mul3A_36, %dot_general3A_31 : vector<128x8192xf32>
      %sub3A = arith.subf %add3A_34, %mul3A_37 : vector<128x8192xf32>
      %add3A_38 = vector.broadcast %get3A_30 : vector<1x8192xf32> to vector<128x8192xf32>
      %add3A_39 = arith.addf %sub3A, %add3A_38 : vector<128x8192xf32>
      %iota3A = tpu.iota {dimensions = array<i32: 1>} : vector<1x8192xi32>
      %reduce_min3A = arith.constant dense<0x7F800000> : vector<128xf32>
      %reduce_min3A_40 = vector.multi_reduction <minimumf>, %add3A_39, %reduce_min3A [1] : vector<128x8192xf32> to vector<128xf32>
      %broadcast_in_dim3A_41 = vector.shape_cast %reduce_min3A_40 : vector<128xf32> to vector<128x1xf32>
      %eq3A = vector.broadcast %broadcast_in_dim3A_41 : vector<128x1xf32> to vector<128x8192xf32>
      %eq3A_42 = arith.cmpf oeq, %add3A_39, %eq3A : vector<128x8192xf32>
      %jit3A = arith.constant 8192 : i32
      %broadcast_in_dim3A_43 = vector.shape_cast %iota3A : vector<1x8192xi32> to vector<1x8192xi32>
      %broadcast_in_dim3A_44 = vector.broadcast %broadcast_in_dim3A_43 : vector<1x8192xi32> to vector<128x8192xi32>
      %broadcast_in_dim3A_45 = vector.broadcast %jit3A : i32 to vector<128x8192xi32>
      %select_n3A = arith.select %eq3A_42, %broadcast_in_dim3A_44, %broadcast_in_dim3A_45 : vector<128x8192xi1>, vector<128x8192xi32>
      %reduce_min3A_46 = arith.constant dense<2147483647> : vector<128xi32>
      %reduce_min3A_47 = vector.multi_reduction <minsi>, %select_n3A, %reduce_min3A_46 [1] : vector<128x8192xi32> to vector<128xi32>
      %broadcast_in_dim3A_48 = vector.shape_cast %reduce_min3A_47 : vector<128xi32> to vector<128x1xi32>
      %eq3A_49 = vector.broadcast %iota3A : vector<1x8192xi32> to vector<128x8192xi32>
      %eq3A_50 = vector.broadcast %broadcast_in_dim3A_48 : vector<128x1xi32> to vector<128x8192xi32>
      %eq3A_51 = arith.cmpi eq, %eq3A_49, %eq3A_50 : vector<128x8192xi32>
      %jit3A_52 = arith.constant 0x7F800000 : f32
      %broadcast_in_dim3A_53 = vector.broadcast %jit3A_52 : f32 to vector<128x8192xf32>
      %select_n3A_54 = arith.select %eq3A_51, %broadcast_in_dim3A_53, %add3A_39 : vector<128x8192xi1>, vector<128x8192xf32>
      %reduce_min3A_55 = arith.constant dense<0x7F800000> : vector<128xf32>
      %reduce_min3A_56 = vector.multi_reduction <minimumf>, %select_n3A_54, %reduce_min3A_55 [1] : vector<128x8192xf32> to vector<128xf32>
      %broadcast_in_dim3A_57 = vector.shape_cast %reduce_min3A_56 : vector<128xf32> to vector<128x1xf32>
      %eq3A_58 = vector.broadcast %broadcast_in_dim3A_57 : vector<128x1xf32> to vector<128x8192xf32>
      %eq3A_59 = arith.cmpf oeq, %select_n3A_54, %eq3A_58 : vector<128x8192xf32>
      %jit3A_60 = arith.constant 8192 : i32
      %broadcast_in_dim3A_61 = vector.shape_cast %iota3A : vector<1x8192xi32> to vector<1x8192xi32>
      %broadcast_in_dim3A_62 = vector.broadcast %broadcast_in_dim3A_61 : vector<1x8192xi32> to vector<128x8192xi32>
      %broadcast_in_dim3A_63 = vector.broadcast %jit3A_60 : i32 to vector<128x8192xi32>
      %select_n3A_64 = arith.select %eq3A_59, %broadcast_in_dim3A_62, %broadcast_in_dim3A_63 : vector<128x8192xi1>, vector<128x8192xi32>
      %reduce_min3A_65 = arith.constant dense<2147483647> : vector<128xi32>
      %reduce_min3A_66 = vector.multi_reduction <minsi>, %select_n3A_64, %reduce_min3A_65 [1] : vector<128x8192xi32> to vector<128xi32>
      %broadcast_in_dim3A_67 = vector.shape_cast %reduce_min3A_66 : vector<128xi32> to vector<128x1xi32>
      %eq3A_68 = vector.broadcast %iota3A : vector<1x8192xi32> to vector<128x8192xi32>
      %eq3A_69 = vector.broadcast %broadcast_in_dim3A_67 : vector<128x1xi32> to vector<128x8192xi32>
      %eq3A_70 = arith.cmpi eq, %eq3A_68, %eq3A_69 : vector<128x8192xi32>
      %jit3A_71 = arith.constant 0x7F800000 : f32
      %broadcast_in_dim3A_72 = vector.broadcast %jit3A_71 : f32 to vector<128x8192xf32>
      %select_n3A_73 = arith.select %eq3A_70, %broadcast_in_dim3A_72, %select_n3A_54 : vector<128x8192xi1>, vector<128x8192xf32>
      %reduce_min3A_74 = arith.constant dense<0x7F800000> : vector<128xf32>
      %reduce_min3A_75 = vector.multi_reduction <minimumf>, %select_n3A_73, %reduce_min3A_74 [1] : vector<128x8192xf32> to vector<128xf32>
      %broadcast_in_dim3A_76 = vector.shape_cast %reduce_min3A_75 : vector<128xf32> to vector<128x1xf32>
      %eq3A_77 = vector.broadcast %broadcast_in_dim3A_76 : vector<128x1xf32> to vector<128x8192xf32>
      %eq3A_78 = arith.cmpf oeq, %select_n3A_73, %eq3A_77 : vector<128x8192xf32>
      %jit3A_79 = arith.constant 8192 : i32
      %broadcast_in_dim3A_80 = vector.shape_cast %iota3A : vector<1x8192xi32> to vector<1x8192xi32>
      %broadcast_in_dim3A_81 = vector.broadcast %broadcast_in_dim3A_80 : vector<1x8192xi32> to vector<128x8192xi32>
      %broadcast_in_dim3A_82 = vector.broadcast %jit3A_79 : i32 to vector<128x8192xi32>
      %select_n3A_83 = arith.select %eq3A_78, %broadcast_in_dim3A_81, %broadcast_in_dim3A_82 : vector<128x8192xi1>, vector<128x8192xi32>
      %reduce_min3A_84 = arith.constant dense<2147483647> : vector<128xi32>
      %reduce_min3A_85 = vector.multi_reduction <minsi>, %select_n3A_83, %reduce_min3A_84 [1] : vector<128x8192xi32> to vector<128xi32>
      %broadcast_in_dim3A_86 = vector.shape_cast %reduce_min3A_85 : vector<128xi32> to vector<128x1xi32>
      %eq3A_87 = vector.broadcast %iota3A : vector<1x8192xi32> to vector<128x8192xi32>
      %eq3A_88 = vector.broadcast %broadcast_in_dim3A_86 : vector<128x1xi32> to vector<128x8192xi32>
      %eq3A_89 = arith.cmpi eq, %eq3A_87, %eq3A_88 : vector<128x8192xi32>
      %jit3A_90 = arith.constant 0x7F800000 : f32
      %broadcast_in_dim3A_91 = vector.broadcast %jit3A_90 : f32 to vector<128x8192xf32>
      %select_n3A_92 = arith.select %eq3A_89, %broadcast_in_dim3A_91, %select_n3A_73 : vector<128x8192xi1>, vector<128x8192xf32>
      %reduce_min3A_93 = arith.constant dense<0x7F800000> : vector<128xf32>
      %reduce_min3A_94 = vector.multi_reduction <minimumf>, %select_n3A_92, %reduce_min3A_93 [1] : vector<128x8192xf32> to vector<128xf32>
      %broadcast_in_dim3A_95 = vector.shape_cast %reduce_min3A_94 : vector<128xf32> to vector<128x1xf32>
      %eq3A_96 = vector.broadcast %broadcast_in_dim3A_95 : vector<128x1xf32> to vector<128x8192xf32>
      %eq3A_97 = arith.cmpf oeq, %select_n3A_92, %eq3A_96 : vector<128x8192xf32>
      %jit3A_98 = arith.constant 8192 : i32
      %broadcast_in_dim3A_99 = vector.shape_cast %iota3A : vector<1x8192xi32> to vector<1x8192xi32>
      %broadcast_in_dim3A_100 = vector.broadcast %broadcast_in_dim3A_99 : vector<1x8192xi32> to vector<128x8192xi32>
      %broadcast_in_dim3A_101 = vector.broadcast %jit3A_98 : i32 to vector<128x8192xi32>
      %select_n3A_102 = arith.select %eq3A_97, %broadcast_in_dim3A_100, %broadcast_in_dim3A_101 : vector<128x8192xi1>, vector<128x8192xi32>
      %reduce_min3A_103 = arith.constant dense<2147483647> : vector<128xi32>
      %reduce_min3A_104 = vector.multi_reduction <minsi>, %select_n3A_102, %reduce_min3A_103 [1] : vector<128x8192xi32> to vector<128xi32>
      %broadcast_in_dim3A_105 = vector.shape_cast %reduce_min3A_104 : vector<128xi32> to vector<128x1xi32>
      %eq3A_106 = vector.broadcast %iota3A : vector<1x8192xi32> to vector<128x8192xi32>
      %eq3A_107 = vector.broadcast %broadcast_in_dim3A_105 : vector<128x1xi32> to vector<128x8192xi32>
      %eq3A_108 = arith.cmpi eq, %eq3A_106, %eq3A_107 : vector<128x8192xi32>
      %jit3A_109 = arith.constant 0x7F800000 : f32
      %broadcast_in_dim3A_110 = vector.broadcast %jit3A_109 : f32 to vector<128x8192xf32>
      %select_n3A_111 = arith.select %eq3A_108, %broadcast_in_dim3A_110, %select_n3A_92 : vector<128x8192xi1>, vector<128x8192xf32>
      %reduce_min3A_112 = arith.constant dense<0x7F800000> : vector<128xf32>
      %reduce_min3A_113 = vector.multi_reduction <minimumf>, %select_n3A_111, %reduce_min3A_112 [1] : vector<128x8192xf32> to vector<128xf32>
      %broadcast_in_dim3A_114 = vector.shape_cast %reduce_min3A_113 : vector<128xf32> to vector<128x1xf32>
      %eq3A_115 = vector.broadcast %broadcast_in_dim3A_114 : vector<128x1xf32> to vector<128x8192xf32>
      %eq3A_116 = arith.cmpf oeq, %select_n3A_111, %eq3A_115 : vector<128x8192xf32>
      %jit3A_117 = arith.constant 8192 : i32
      %broadcast_in_dim3A_118 = vector.shape_cast %iota3A : vector<1x8192xi32> to vector<1x8192xi32>
      %broadcast_in_dim3A_119 = vector.broadcast %broadcast_in_dim3A_118 : vector<1x8192xi32> to vector<128x8192xi32>
      %broadcast_in_dim3A_120 = vector.broadcast %jit3A_117 : i32 to vector<128x8192xi32>
      %select_n3A_121 = arith.select %eq3A_116, %broadcast_in_dim3A_119, %broadcast_in_dim3A_120 : vector<128x8192xi1>, vector<128x8192xi32>
      %reduce_min3A_122 = arith.constant dense<2147483647> : vector<128xi32>
      %reduce_min3A_123 = vector.multi_reduction <minsi>, %select_n3A_121, %reduce_min3A_122 [1] : vector<128x8192xi32> to vector<128xi32>
      %broadcast_in_dim3A_124 = vector.shape_cast %reduce_min3A_123 : vector<128xi32> to vector<128x1xi32>
      %eq3A_125 = vector.broadcast %iota3A : vector<1x8192xi32> to vector<128x8192xi32>
      %eq3A_126 = vector.broadcast %broadcast_in_dim3A_124 : vector<128x1xi32> to vector<128x8192xi32>
      %eq3A_127 = arith.cmpi eq, %eq3A_125, %eq3A_126 : vector<128x8192xi32>
      %jit3A_128 = arith.constant 0x7F800000 : f32
      %broadcast_in_dim3A_129 = vector.broadcast %jit3A_128 : f32 to vector<128x8192xf32>
      %select_n3A_130 = arith.select %eq3A_127, %broadcast_in_dim3A_129, %select_n3A_111 : vector<128x8192xi1>, vector<128x8192xf32>
      %reduce_min3A_131 = arith.constant dense<0x7F800000> : vector<128xf32>
      %reduce_min3A_132 = vector.multi_reduction <minimumf>, %select_n3A_130, %reduce_min3A_131 [1] : vector<128x8192xf32> to vector<128xf32>
      %broadcast_in_dim3A_133 = vector.shape_cast %reduce_min3A_132 : vector<128xf32> to vector<128x1xf32>
      %eq3A_134 = vector.broadcast %broadcast_in_dim3A_133 : vector<128x1xf32> to vector<128x8192xf32>
      %eq3A_135 = arith.cmpf oeq, %select_n3A_130, %eq3A_134 : vector<128x8192xf32>
      %jit3A_136 = arith.constant 8192 : i32
      %broadcast_in_dim3A_137 = vector.shape_cast %iota3A : vector<1x8192xi32> to vector<1x8192xi32>
      %broadcast_in_dim3A_138 = vector.broadcast %broadcast_in_dim3A_137 : vector<1x8192xi32> to vector<128x8192xi32>
      %broadcast_in_dim3A_139 = vector.broadcast %jit3A_136 : i32 to vector<128x8192xi32>
      %select_n3A_140 = arith.select %eq3A_135, %broadcast_in_dim3A_138, %broadcast_in_dim3A_139 : vector<128x8192xi1>, vector<128x8192xi32>
      %reduce_min3A_141 = arith.constant dense<2147483647> : vector<128xi32>
      %reduce_min3A_142 = vector.multi_reduction <minsi>, %select_n3A_140, %reduce_min3A_141 [1] : vector<128x8192xi32> to vector<128xi32>
      %broadcast_in_dim3A_143 = vector.shape_cast %reduce_min3A_142 : vector<128xi32> to vector<128x1xi32>
      %eq3A_144 = vector.broadcast %iota3A : vector<1x8192xi32> to vector<128x8192xi32>
      %eq3A_145 = vector.broadcast %broadcast_in_dim3A_143 : vector<128x1xi32> to vector<128x8192xi32>
      %eq3A_146 = arith.cmpi eq, %eq3A_144, %eq3A_145 : vector<128x8192xi32>
      %jit3A_147 = arith.constant 0x7F800000 : f32
      %broadcast_in_dim3A_148 = vector.broadcast %jit3A_147 : f32 to vector<128x8192xf32>
      %select_n3A_149 = arith.select %eq3A_146, %broadcast_in_dim3A_148, %select_n3A_130 : vector<128x8192xi1>, vector<128x8192xf32>
      %reduce_min3A_150 = arith.constant dense<0x7F800000> : vector<128xf32>
      %reduce_min3A_151 = vector.multi_reduction <minimumf>, %select_n3A_149, %reduce_min3A_150 [1] : vector<128x8192xf32> to vector<128xf32>
      %broadcast_in_dim3A_152 = vector.shape_cast %reduce_min3A_151 : vector<128xf32> to vector<128x1xf32>
      %eq3A_153 = vector.broadcast %broadcast_in_dim3A_152 : vector<128x1xf32> to vector<128x8192xf32>
      %eq3A_154 = arith.cmpf oeq, %select_n3A_149, %eq3A_153 : vector<128x8192xf32>
      %jit3A_155 = arith.constant 8192 : i32
      %broadcast_in_dim3A_156 = vector.shape_cast %iota3A : vector<1x8192xi32> to vector<1x8192xi32>
      %broadcast_in_dim3A_157 = vector.broadcast %broadcast_in_dim3A_156 : vector<1x8192xi32> to vector<128x8192xi32>
      %broadcast_in_dim3A_158 = vector.broadcast %jit3A_155 : i32 to vector<128x8192xi32>
      %select_n3A_159 = arith.select %eq3A_154, %broadcast_in_dim3A_157, %broadcast_in_dim3A_158 : vector<128x8192xi1>, vector<128x8192xi32>
      %reduce_min3A_160 = arith.constant dense<2147483647> : vector<128xi32>
      %reduce_min3A_161 = vector.multi_reduction <minsi>, %select_n3A_159, %reduce_min3A_160 [1] : vector<128x8192xi32> to vector<128xi32>
      %broadcast_in_dim3A_162 = vector.shape_cast %reduce_min3A_161 : vector<128xi32> to vector<128x1xi32>
      %eq3A_163 = vector.broadcast %iota3A : vector<1x8192xi32> to vector<128x8192xi32>
      %eq3A_164 = vector.broadcast %broadcast_in_dim3A_162 : vector<128x1xi32> to vector<128x8192xi32>
      %eq3A_165 = arith.cmpi eq, %eq3A_163, %eq3A_164 : vector<128x8192xi32>
      %jit3A_166 = arith.constant 0x7F800000 : f32
      %broadcast_in_dim3A_167 = vector.broadcast %jit3A_166 : f32 to vector<128x8192xf32>
      %select_n3A_168 = arith.select %eq3A_165, %broadcast_in_dim3A_167, %select_n3A_149 : vector<128x8192xi1>, vector<128x8192xf32>
      %reduce_min3A_169 = arith.constant dense<0x7F800000> : vector<128xf32>
      %reduce_min3A_170 = vector.multi_reduction <minimumf>, %select_n3A_168, %reduce_min3A_169 [1] : vector<128x8192xf32> to vector<128xf32>
      %broadcast_in_dim3A_171 = vector.shape_cast %reduce_min3A_170 : vector<128xf32> to vector<128x1xf32>
      %eq3A_172 = vector.broadcast %broadcast_in_dim3A_171 : vector<128x1xf32> to vector<128x8192xf32>
      %eq3A_173 = arith.cmpf oeq, %select_n3A_168, %eq3A_172 : vector<128x8192xf32>
      %jit3A_174 = arith.constant 8192 : i32
      %broadcast_in_dim3A_175 = vector.shape_cast %iota3A : vector<1x8192xi32> to vector<1x8192xi32>
      %broadcast_in_dim3A_176 = vector.broadcast %broadcast_in_dim3A_175 : vector<1x8192xi32> to vector<128x8192xi32>
      %broadcast_in_dim3A_177 = vector.broadcast %jit3A_174 : i32 to vector<128x8192xi32>
      %select_n3A_178 = arith.select %eq3A_173, %broadcast_in_dim3A_176, %broadcast_in_dim3A_177 : vector<128x8192xi1>, vector<128x8192xi32>
      %reduce_min3A_179 = arith.constant dense<2147483647> : vector<128xi32>
      %reduce_min3A_180 = vector.multi_reduction <minsi>, %select_n3A_178, %reduce_min3A_179 [1] : vector<128x8192xi32> to vector<128xi32>
      %broadcast_in_dim3A_181 = vector.shape_cast %reduce_min3A_180 : vector<128xi32> to vector<128x1xi32>
      %eq3A_182 = vector.broadcast %iota3A : vector<1x8192xi32> to vector<128x8192xi32>
      %eq3A_183 = vector.broadcast %broadcast_in_dim3A_181 : vector<128x1xi32> to vector<128x8192xi32>
      %eq3A_184 = arith.cmpi eq, %eq3A_182, %eq3A_183 : vector<128x8192xi32>
      %jit3A_185 = arith.constant 0x7F800000 : f32
      %broadcast_in_dim3A_186 = vector.broadcast %jit3A_185 : f32 to vector<128x8192xf32>
      %select_n3A_187 = arith.select %eq3A_184, %broadcast_in_dim3A_186, %select_n3A_168 : vector<128x8192xi1>, vector<128x8192xf32>
      %reduce_min3A_188 = arith.constant dense<0x7F800000> : vector<128xf32>
      %reduce_min3A_189 = vector.multi_reduction <minimumf>, %select_n3A_187, %reduce_min3A_188 [1] : vector<128x8192xf32> to vector<128xf32>
      %broadcast_in_dim3A_190 = vector.shape_cast %reduce_min3A_189 : vector<128xf32> to vector<128x1xf32>
      %eq3A_191 = vector.broadcast %broadcast_in_dim3A_190 : vector<128x1xf32> to vector<128x8192xf32>
      %eq3A_192 = arith.cmpf oeq, %select_n3A_187, %eq3A_191 : vector<128x8192xf32>
      %jit3A_193 = arith.constant 8192 : i32
      %broadcast_in_dim3A_194 = vector.shape_cast %iota3A : vector<1x8192xi32> to vector<1x8192xi32>
      %broadcast_in_dim3A_195 = vector.broadcast %broadcast_in_dim3A_194 : vector<1x8192xi32> to vector<128x8192xi32>
      %broadcast_in_dim3A_196 = vector.broadcast %jit3A_193 : i32 to vector<128x8192xi32>
      %select_n3A_197 = arith.select %eq3A_192, %broadcast_in_dim3A_195, %broadcast_in_dim3A_196 : vector<128x8192xi1>, vector<128x8192xi32>
      %reduce_min3A_198 = arith.constant dense<2147483647> : vector<128xi32>
      %reduce_min3A_199 = vector.multi_reduction <minsi>, %select_n3A_197, %reduce_min3A_198 [1] : vector<128x8192xi32> to vector<128xi32>
      %broadcast_in_dim3A_200 = vector.shape_cast %reduce_min3A_199 : vector<128xi32> to vector<128x1xi32>
      %eq3A_201 = vector.broadcast %iota3A : vector<1x8192xi32> to vector<128x8192xi32>
      %eq3A_202 = vector.broadcast %broadcast_in_dim3A_200 : vector<128x1xi32> to vector<128x8192xi32>
      %eq3A_203 = arith.cmpi eq, %eq3A_201, %eq3A_202 : vector<128x8192xi32>
      %jit3A_204 = arith.constant 0x7F800000 : f32
      %broadcast_in_dim3A_205 = vector.broadcast %jit3A_204 : f32 to vector<128x8192xf32>
      %select_n3A_206 = arith.select %eq3A_203, %broadcast_in_dim3A_205, %select_n3A_187 : vector<128x8192xi1>, vector<128x8192xf32>
      %reduce_min3A_207 = arith.constant dense<0x7F800000> : vector<128xf32>
      %reduce_min3A_208 = vector.multi_reduction <minimumf>, %select_n3A_206, %reduce_min3A_207 [1] : vector<128x8192xf32> to vector<128xf32>
      %broadcast_in_dim3A_209 = vector.shape_cast %reduce_min3A_208 : vector<128xf32> to vector<128x1xf32>
      %eq3A_210 = vector.broadcast %broadcast_in_dim3A_209 : vector<128x1xf32> to vector<128x8192xf32>
      %eq3A_211 = arith.cmpf oeq, %select_n3A_206, %eq3A_210 : vector<128x8192xf32>
      %jit3A_212 = arith.constant 8192 : i32
      %broadcast_in_dim3A_213 = vector.shape_cast %iota3A : vector<1x8192xi32> to vector<1x8192xi32>
      %broadcast_in_dim3A_214 = vector.broadcast %broadcast_in_dim3A_213 : vector<1x8192xi32> to vector<128x8192xi32>
      %broadcast_in_dim3A_215 = vector.broadcast %jit3A_212 : i32 to vector<128x8192xi32>
      %select_n3A_216 = arith.select %eq3A_211, %broadcast_in_dim3A_214, %broadcast_in_dim3A_215 : vector<128x8192xi1>, vector<128x8192xi32>
      %reduce_min3A_217 = arith.constant dense<2147483647> : vector<128xi32>
      %reduce_min3A_218 = vector.multi_reduction <minsi>, %select_n3A_216, %reduce_min3A_217 [1] : vector<128x8192xi32> to vector<128xi32>
      %broadcast_in_dim3A_219 = vector.shape_cast %reduce_min3A_218 : vector<128xi32> to vector<128x1xi32>
      %eq3A_220 = vector.broadcast %iota3A : vector<1x8192xi32> to vector<128x8192xi32>
      %eq3A_221 = vector.broadcast %broadcast_in_dim3A_219 : vector<128x1xi32> to vector<128x8192xi32>
      %eq3A_222 = arith.cmpi eq, %eq3A_220, %eq3A_221 : vector<128x8192xi32>
      %jit3A_223 = arith.constant 0x7F800000 : f32
      %broadcast_in_dim3A_224 = vector.broadcast %jit3A_223 : f32 to vector<128x8192xf32>
      %select_n3A_225 = arith.select %eq3A_222, %broadcast_in_dim3A_224, %select_n3A_206 : vector<128x8192xi1>, vector<128x8192xf32>
      %reduce_min3A_226 = arith.constant dense<0x7F800000> : vector<128xf32>
      %reduce_min3A_227 = vector.multi_reduction <minimumf>, %select_n3A_225, %reduce_min3A_226 [1] : vector<128x8192xf32> to vector<128xf32>
      %broadcast_in_dim3A_228 = vector.shape_cast %reduce_min3A_227 : vector<128xf32> to vector<128x1xf32>
      %eq3A_229 = vector.broadcast %broadcast_in_dim3A_228 : vector<128x1xf32> to vector<128x8192xf32>
      %eq3A_230 = arith.cmpf oeq, %select_n3A_225, %eq3A_229 : vector<128x8192xf32>
      %jit3A_231 = arith.constant 8192 : i32
      %broadcast_in_dim3A_232 = vector.shape_cast %iota3A : vector<1x8192xi32> to vector<1x8192xi32>
      %broadcast_in_dim3A_233 = vector.broadcast %broadcast_in_dim3A_232 : vector<1x8192xi32> to vector<128x8192xi32>
      %broadcast_in_dim3A_234 = vector.broadcast %jit3A_231 : i32 to vector<128x8192xi32>
      %select_n3A_235 = arith.select %eq3A_230, %broadcast_in_dim3A_233, %broadcast_in_dim3A_234 : vector<128x8192xi1>, vector<128x8192xi32>
      %reduce_min3A_236 = arith.constant dense<2147483647> : vector<128xi32>
      %reduce_min3A_237 = vector.multi_reduction <minsi>, %select_n3A_235, %reduce_min3A_236 [1] : vector<128x8192xi32> to vector<128xi32>
      %broadcast_in_dim3A_238 = vector.shape_cast %reduce_min3A_237 : vector<128xi32> to vector<128x1xi32>
      %eq3A_239 = vector.broadcast %iota3A : vector<1x8192xi32> to vector<128x8192xi32>
      %eq3A_240 = vector.broadcast %broadcast_in_dim3A_238 : vector<128x1xi32> to vector<128x8192xi32>
      %eq3A_241 = arith.cmpi eq, %eq3A_239, %eq3A_240 : vector<128x8192xi32>
      %jit3A_242 = arith.constant 0x7F800000 : f32
      %broadcast_in_dim3A_243 = vector.broadcast %jit3A_242 : f32 to vector<128x8192xf32>
      %select_n3A_244 = arith.select %eq3A_241, %broadcast_in_dim3A_243, %select_n3A_225 : vector<128x8192xi1>, vector<128x8192xf32>
      %reduce_min3A_245 = arith.constant dense<0x7F800000> : vector<128xf32>
      %reduce_min3A_246 = vector.multi_reduction <minimumf>, %select_n3A_244, %reduce_min3A_245 [1] : vector<128x8192xf32> to vector<128xf32>
      %broadcast_in_dim3A_247 = vector.shape_cast %reduce_min3A_246 : vector<128xf32> to vector<128x1xf32>
      %eq3A_248 = vector.broadcast %broadcast_in_dim3A_247 : vector<128x1xf32> to vector<128x8192xf32>
      %eq3A_249 = arith.cmpf oeq, %select_n3A_244, %eq3A_248 : vector<128x8192xf32>
      %jit3A_250 = arith.constant 8192 : i32
      %broadcast_in_dim3A_251 = vector.shape_cast %iota3A : vector<1x8192xi32> to vector<1x8192xi32>
      %broadcast_in_dim3A_252 = vector.broadcast %broadcast_in_dim3A_251 : vector<1x8192xi32> to vector<128x8192xi32>
      %broadcast_in_dim3A_253 = vector.broadcast %jit3A_250 : i32 to vector<128x8192xi32>
      %select_n3A_254 = arith.select %eq3A_249, %broadcast_in_dim3A_252, %broadcast_in_dim3A_253 : vector<128x8192xi1>, vector<128x8192xi32>
      %reduce_min3A_255 = arith.constant dense<2147483647> : vector<128xi32>
      %reduce_min3A_256 = vector.multi_reduction <minsi>, %select_n3A_254, %reduce_min3A_255 [1] : vector<128x8192xi32> to vector<128xi32>
      %broadcast_in_dim3A_257 = vector.shape_cast %reduce_min3A_256 : vector<128xi32> to vector<128x1xi32>
      %eq3A_258 = vector.broadcast %iota3A : vector<1x8192xi32> to vector<128x8192xi32>
      %eq3A_259 = vector.broadcast %broadcast_in_dim3A_257 : vector<128x1xi32> to vector<128x8192xi32>
      %eq3A_260 = arith.cmpi eq, %eq3A_258, %eq3A_259 : vector<128x8192xi32>
      %jit3A_261 = arith.constant 0x7F800000 : f32
      %broadcast_in_dim3A_262 = vector.broadcast %jit3A_261 : f32 to vector<128x8192xf32>
      %select_n3A_263 = arith.select %eq3A_260, %broadcast_in_dim3A_262, %select_n3A_244 : vector<128x8192xi1>, vector<128x8192xf32>
      %reduce_min3A_264 = arith.constant dense<0x7F800000> : vector<128xf32>
      %reduce_min3A_265 = vector.multi_reduction <minimumf>, %select_n3A_263, %reduce_min3A_264 [1] : vector<128x8192xf32> to vector<128xf32>
      %broadcast_in_dim3A_266 = vector.shape_cast %reduce_min3A_265 : vector<128xf32> to vector<128x1xf32>
      %eq3A_267 = vector.broadcast %broadcast_in_dim3A_266 : vector<128x1xf32> to vector<128x8192xf32>
      %eq3A_268 = arith.cmpf oeq, %select_n3A_263, %eq3A_267 : vector<128x8192xf32>
      %jit3A_269 = arith.constant 8192 : i32
      %broadcast_in_dim3A_270 = vector.shape_cast %iota3A : vector<1x8192xi32> to vector<1x8192xi32>
      %broadcast_in_dim3A_271 = vector.broadcast %broadcast_in_dim3A_270 : vector<1x8192xi32> to vector<128x8192xi32>
      %broadcast_in_dim3A_272 = vector.broadcast %jit3A_269 : i32 to vector<128x8192xi32>
      %select_n3A_273 = arith.select %eq3A_268, %broadcast_in_dim3A_271, %broadcast_in_dim3A_272 : vector<128x8192xi1>, vector<128x8192xi32>
      %reduce_min3A_274 = arith.constant dense<2147483647> : vector<128xi32>
      %reduce_min3A_275 = vector.multi_reduction <minsi>, %select_n3A_273, %reduce_min3A_274 [1] : vector<128x8192xi32> to vector<128xi32>
      %broadcast_in_dim3A_276 = vector.shape_cast %reduce_min3A_275 : vector<128xi32> to vector<128x1xi32>
      %eq3A_277 = vector.broadcast %iota3A : vector<1x8192xi32> to vector<128x8192xi32>
      %eq3A_278 = vector.broadcast %broadcast_in_dim3A_276 : vector<128x1xi32> to vector<128x8192xi32>
      %eq3A_279 = arith.cmpi eq, %eq3A_277, %eq3A_278 : vector<128x8192xi32>
      %jit3A_280 = arith.constant 0x7F800000 : f32
      %broadcast_in_dim3A_281 = vector.broadcast %jit3A_280 : f32 to vector<128x8192xf32>
      %select_n3A_282 = arith.select %eq3A_279, %broadcast_in_dim3A_281, %select_n3A_263 : vector<128x8192xi1>, vector<128x8192xf32>
      %reduce_min3A_283 = arith.constant dense<0x7F800000> : vector<128xf32>
      %reduce_min3A_284 = vector.multi_reduction <minimumf>, %select_n3A_282, %reduce_min3A_283 [1] : vector<128x8192xf32> to vector<128xf32>
      %broadcast_in_dim3A_285 = vector.shape_cast %reduce_min3A_284 : vector<128xf32> to vector<128x1xf32>
      %eq3A_286 = vector.broadcast %broadcast_in_dim3A_285 : vector<128x1xf32> to vector<128x8192xf32>
      %eq3A_287 = arith.cmpf oeq, %select_n3A_282, %eq3A_286 : vector<128x8192xf32>
      %jit3A_288 = arith.constant 8192 : i32
      %broadcast_in_dim3A_289 = vector.shape_cast %iota3A : vector<1x8192xi32> to vector<1x8192xi32>
      %broadcast_in_dim3A_290 = vector.broadcast %broadcast_in_dim3A_289 : vector<1x8192xi32> to vector<128x8192xi32>
      %broadcast_in_dim3A_291 = vector.broadcast %jit3A_288 : i32 to vector<128x8192xi32>
      %select_n3A_292 = arith.select %eq3A_287, %broadcast_in_dim3A_290, %broadcast_in_dim3A_291 : vector<128x8192xi1>, vector<128x8192xi32>
      %reduce_min3A_293 = arith.constant dense<2147483647> : vector<128xi32>
      %reduce_min3A_294 = vector.multi_reduction <minsi>, %select_n3A_292, %reduce_min3A_293 [1] : vector<128x8192xi32> to vector<128xi32>
      %broadcast_in_dim3A_295 = vector.shape_cast %reduce_min3A_294 : vector<128xi32> to vector<128x1xi32>
      %eq3A_296 = vector.broadcast %iota3A : vector<1x8192xi32> to vector<128x8192xi32>
      %eq3A_297 = vector.broadcast %broadcast_in_dim3A_295 : vector<128x1xi32> to vector<128x8192xi32>
      %eq3A_298 = arith.cmpi eq, %eq3A_296, %eq3A_297 : vector<128x8192xi32>
      %jit3A_299 = arith.constant 0x7F800000 : f32
      %broadcast_in_dim3A_300 = vector.broadcast %jit3A_299 : f32 to vector<128x8192xf32>
      %select_n3A_301 = arith.select %eq3A_298, %broadcast_in_dim3A_300, %select_n3A_282 : vector<128x8192xi1>, vector<128x8192xf32>
      %reduce_min3A_302 = arith.constant dense<0x7F800000> : vector<128xf32>
      %reduce_min3A_303 = vector.multi_reduction <minimumf>, %select_n3A_301, %reduce_min3A_302 [1] : vector<128x8192xf32> to vector<128xf32>
      %broadcast_in_dim3A_304 = vector.shape_cast %reduce_min3A_303 : vector<128xf32> to vector<128x1xf32>
      %eq3A_305 = vector.broadcast %broadcast_in_dim3A_304 : vector<128x1xf32> to vector<128x8192xf32>
      %eq3A_306 = arith.cmpf oeq, %select_n3A_301, %eq3A_305 : vector<128x8192xf32>
      %jit3A_307 = arith.constant 8192 : i32
      %broadcast_in_dim3A_308 = vector.shape_cast %iota3A : vector<1x8192xi32> to vector<1x8192xi32>
      %broadcast_in_dim3A_309 = vector.broadcast %broadcast_in_dim3A_308 : vector<1x8192xi32> to vector<128x8192xi32>
      %broadcast_in_dim3A_310 = vector.broadcast %jit3A_307 : i32 to vector<128x8192xi32>
      %select_n3A_311 = arith.select %eq3A_306, %broadcast_in_dim3A_309, %broadcast_in_dim3A_310 : vector<128x8192xi1>, vector<128x8192xi32>
      %reduce_min3A_312 = arith.constant dense<2147483647> : vector<128xi32>
      %reduce_min3A_313 = vector.multi_reduction <minsi>, %select_n3A_311, %reduce_min3A_312 [1] : vector<128x8192xi32> to vector<128xi32>
      %broadcast_in_dim3A_314 = vector.shape_cast %reduce_min3A_313 : vector<128xi32> to vector<128x1xi32>
      %eq3A_315 = vector.broadcast %iota3A : vector<1x8192xi32> to vector<128x8192xi32>
      %eq3A_316 = vector.broadcast %broadcast_in_dim3A_314 : vector<128x1xi32> to vector<128x8192xi32>
      %eq3A_317 = arith.cmpi eq, %eq3A_315, %eq3A_316 : vector<128x8192xi32>
      %jit3A_318 = arith.constant 0x7F800000 : f32
      %broadcast_in_dim3A_319 = vector.broadcast %jit3A_318 : f32 to vector<128x8192xf32>
      %select_n3A_320 = arith.select %eq3A_317, %broadcast_in_dim3A_319, %select_n3A_301 : vector<128x8192xi1>, vector<128x8192xf32>
      %reduce_min3A_321 = arith.constant dense<0x7F800000> : vector<128xf32>
      %reduce_min3A_322 = vector.multi_reduction <minimumf>, %select_n3A_320, %reduce_min3A_321 [1] : vector<128x8192xf32> to vector<128xf32>
      %broadcast_in_dim3A_323 = vector.shape_cast %reduce_min3A_322 : vector<128xf32> to vector<128x1xf32>
      %eq3A_324 = vector.broadcast %broadcast_in_dim3A_323 : vector<128x1xf32> to vector<128x8192xf32>
      %eq3A_325 = arith.cmpf oeq, %select_n3A_320, %eq3A_324 : vector<128x8192xf32>
      %jit3A_326 = arith.constant 8192 : i32
      %broadcast_in_dim3A_327 = vector.shape_cast %iota3A : vector<1x8192xi32> to vector<1x8192xi32>
      %broadcast_in_dim3A_328 = vector.broadcast %broadcast_in_dim3A_327 : vector<1x8192xi32> to vector<128x8192xi32>
      %broadcast_in_dim3A_329 = vector.broadcast %jit3A_326 : i32 to vector<128x8192xi32>
      %select_n3A_330 = arith.select %eq3A_325, %broadcast_in_dim3A_328, %broadcast_in_dim3A_329 : vector<128x8192xi1>, vector<128x8192xi32>
      %reduce_min3A_331 = arith.constant dense<2147483647> : vector<128xi32>
      %reduce_min3A_332 = vector.multi_reduction <minsi>, %select_n3A_330, %reduce_min3A_331 [1] : vector<128x8192xi32> to vector<128xi32>
      %broadcast_in_dim3A_333 = vector.shape_cast %reduce_min3A_332 : vector<128xi32> to vector<128x1xi32>
      %concatenate3A = tpu.concatenate %broadcast_in_dim3A_48, %broadcast_in_dim3A_67, %broadcast_in_dim3A_86, %broadcast_in_dim3A_105, %broadcast_in_dim3A_124, %broadcast_in_dim3A_143, %broadcast_in_dim3A_162, %broadcast_in_dim3A_181, %broadcast_in_dim3A_200, %broadcast_in_dim3A_219, %broadcast_in_dim3A_238, %broadcast_in_dim3A_257, %broadcast_in_dim3A_276, %broadcast_in_dim3A_295, %broadcast_in_dim3A_314, %broadcast_in_dim3A_333 in 1 : vector<128x1xi32>, vector<128x1xi32>, vector<128x1xi32>, vector<128x1xi32>, vector<128x1xi32>, vector<128x1xi32>, vector<128x1xi32>, vector<128x1xi32>, vector<128x1xi32>, vector<128x1xi32>, vector<128x1xi32>, vector<128x1xi32>, vector<128x1xi32>, vector<128x1xi32>, vector<128x1xi32>, vector<128x1xi32> -> vector<128x16xi32>
      %swap3A = arith.constant 0 : index
      %swap3A_334 = arith.constant 0 : index
      %swap3A_335 = arith.constant 0 : index
      %swap3A_336 = vector.load %arg6[%swap3A, %swap3A_334, %swap3A_335] : memref<1x128x16xi32, #tpu.memory_space<vmem>>, vector<1x128x16xi32>
      %swap3A_337 = vector.shape_cast %swap3A_336 : vector<1x128x16xi32> to vector<128x16xi32>
      %swap3A_338 = vector.shape_cast %concatenate3A : vector<128x16xi32> to vector<1x128x16xi32>
      tpu.vector_store %arg6[%swap3A, %swap3A_334, %swap3A_335], %swap3A_338 {strides = array<i32>} : memref<1x128x16xi32, #tpu.memory_space<vmem>>, vector<1x128x16xi32>,
    } else {
    }
    %get3A_3 = arith.constant 0 : index
    %get3A_4 = memref.load %arg2[%get3A_3] : memref<1xi32, #tpu.memory_space<smem>>
    %ge3A = arith.cmpi sge, %mul3A_0, %get3A_4 : i32
    %convert_element_type3A_5 = arith.extui %ge3A : i1 to i32
    %cond3A_6 = arith.constant 0 : i32
    %cond3A_7 = arith.cmpi ne, %convert_element_type3A_5, %cond3A_6 : i32
    scf.if %cond3A_7 {
      %broadcast_in_dim3A = arith.constant 0 : i32
      %broadcast_in_dim3A_8 = vector.broadcast %broadcast_in_dim3A : i32 to vector<128x16xi32>
      %swap3A = arith.constant 0 : index
      %swap3A_9 = arith.constant 0 : index
      %swap3A_10 = arith.constant 0 : index
      %swap3A_11 = vector.load %arg6[%swap3A, %swap3A_9, %swap3A_10] : memref<1x128x16xi32, #tpu.memory_space<vmem>>, vector<1x128x16xi32>
      %swap3A_12 = vector.shape_cast %swap3A_11 : vector<1x128x16xi32> to vector<128x16xi32>
      %swap3A_13 = vector.shape_cast %broadcast_in_dim3A_8 : vector<128x16xi32> to vector<1x128x16xi32>
      tpu.vector_store %arg6[%swap3A, %swap3A_9, %swap3A_10], %swap3A_13 {strides = array<i32>} : memref<1x128x16xi32, #tpu.memory_space<vmem>>, vector<1x128x16xi32>,
    } else {
    }
    return
  }
  func.func @transform_0(%arg0: i32, %arg1: i32, %arg2: memref<1xi32, #tpu.memory_space<smem>>) -> (i32, i32, i32) {
    %c0_i32 = arith.constant 0 : i32
    %c0_i32_0 = arith.constant 0 : i32
    return %arg0, %arg1, %c0_i32 : i32, i32, i32
  }
  func.func @transform_1(%arg0: i32, %arg1: i32, %arg2: memref<1xi32, #tpu.memory_space<smem>>) -> (i32, i32, i32) {
    %c0_i32 = arith.constant 0 : i32
    %c0_i32_0 = arith.constant 0 : i32
    %c0_i32_1 = arith.constant 0 : i32
    return %arg0, %c0_i32, %c0_i32_0 : i32, i32, i32
  }
  func.func @transform_2(%arg0: i32, %arg1: i32, %arg2: memref<1xi32, #tpu.memory_space<smem>>) -> (i32, i32, i32) {
    %c0_i32 = arith.constant 0 : i32
    %c0_i32_0 = arith.constant 0 : i32
    %c0_i32_1 = arith.constant 0 : i32
    return %arg0, %c0_i32, %c0_i32_0 : i32, i32, i32
  }
  func.func @transform_3(%arg0: i32, %arg1: i32, %arg2: memref<1xi32, #tpu.memory_space<smem>>) -> (i32, i32, i32) {
    %c0_i32 = arith.constant 0 : i32
    %c0_i32_0 = arith.constant 0 : i32
    return %arg0, %arg1, %c0_i32 : i32, i32, i32
  }
}

</mosaic_0001>

<sc_bundles>
// kernel: kernel.10.cloned.1.call-start
scs
__scs_entry_jumppad:
0x0: {  	(pc) =	sbr.rel $0x88, $3  }
0x1: {  	(tag) =	ssettag $0x0;
	lr =	simm.s32 $0x1  }
0x2: {  	[smem:$0x3F83] =	sst lr;
	_ =	strace $0xD0000000  }
0x3: {  	_ = 	snop  }
0x4: {  	_ = 	snop  }
0x5: {  	_ = 	snop  }
0x6: {  	_ = 	snop  }
0x7: {  	_ = 	snop  }
__scs_overlays_trampoline_lowered:
0x8: {  	[smem:$0x3F92] =	sst s0  }
0x9: {  	[smem:$0x3F93] =	sst s1  }
0xa: {  	[smem:$0x3F94] =	sst s2  }
0xb: {  	[smem:$0x3F95] =	sst s3  }
0xc: {  	[smem:$0x3F96] =	sst s4  }
0xd: {  	[smem:$0x3F97] =	sst s5  }
0xe: {  	[smem:$0x3F98] =	sst s6  }
0xf: {  	[smem:$0x3F99] =	sst s7  }
0x10: {  	[smem:$0x3F9A] =	sst s8  }
0x11: {  	[smem:$0x3F9B] =	sst s9;
	s0 =	simm.s32 @!p0 $0x0  }
0x12: {  	s1 =	sld [smem:$0x3F81];
	s0 =	simm.s32 @p0 $0x1  }
0x13: {  	[smem:$0x3F9C] =	sst s0;
	s0 =	simm.s32 @!p1 $0x0  }
0x14: {  	s2 =	sld [smem:$0x3F80];
	s0 =	simm.s32 @p1 $0x1  }
0x15: {  	[smem:$0x3F9D] =	sst s0;
	s0 =	simm.s32 @!p2 $0x0  }
0x16: {  	s3 =	sld [smem:$0x3FDB];
	s0 =	simm.s32 @p2 $0x1  }
0x17: {  	s4 =	simm.s32 $0x1BF5;
	[smem:$0x3F9F] =	sst s0  }
0x18: {  	s0 =	sld [smem:$0x3F82];
	_ =	swait.ge [sflag:s4], $0x0  }
0x19: {  	s7 =	sld [smem:$0x3F83]  }
0x1a: {  	s8 =	sadd.s32 $0xFFFFE003, lr  }
0x1b: {  	s9 =	sadd.s32 $0xFFFFFEF7, lr;
	s5 =	simm.s32 $0xFFFFFFFF;
	p2 =	slt.u32 s8, $0xFFFFF086  }
0x1c: {  	p1 =	slt.u32 s9, $0xF7A;
	s5 =	simm.s32 @!p2 $0x0  }
0x1d: {  	s5 =	simm.s32 @p1 $0x1;
	p0 =	seq.s32 s7, s2  }
0x1e: {  	s7 =	smul.u32 @!p0 $0xF7A, s2;
	p2 =	seq.s32 @!p0 s5, $0x0  }
0x1f: {  	s9 =	smul.u32 $0xF7A, s1;
	s8 =	simm.s32 @!p0 $0x1BF5;
	p2 =	por !p2, p0  }
0x20: {  	[sflag:s8] =	ssyncset.s32 @!p0 $0xFFFFF086;
	s6 =	sadd.s32 @!p0 s3, s7;
	s7 =	simm.s32 @!p0 $0x108  }
0x21: {  	s3 =	sadd.s32 s3, s9;
	s6 =	sadd.s32 @!p0 $0x88, s6;
	s7 =	simm.s32 @p2 $0x1082  }
0x22: {  	[simem:s7], [sflag:s8] =	dma.local @!p0 [hbm:s6], $0xF7A  }
0x23: {  	s9 =	sor.u32 $0xD0000000, s2;
	s6 =	simm.s32 $0x108;
	_ =	swait.ge @!p0 [sflag:s8], $0x0  }
0x24: {  	s3 =	sadd.s32 $0x88, s3;
	s6 =	simm.s32 @!p1 $0x1082;
	[sflag:s4] =	ssyncset.s32 $0xFFFFF086  }
0x25: {  	[simem:s6], [sflag:s4] =	dma.local [hbm:s3], $0xF7A  }
0x26: {  	[smem:$0x3F83] =	sst s1;
	(tag) =	ssettag s2;
	_ =	strace s9  }
0x27: {  	s1 =	sld [smem:$0x3F93]  }
0x28: {  	s2 =	sld [smem:$0x3F94]  }
0x29: {  	s4 =	sld [smem:$0x3F96]  }
0x2a: {  	p0 =	seq.s32 s5, $0x0;
	s5 =	sld [smem:$0x3F97]  }
0x2b: {  	s6 =	sld [smem:$0x3F98]  }
0x2c: {  	s7 =	sld [smem:$0x3F99]  }
0x2d: {  	s3 =	simm.s32 $0x108;
	s8 =	sld [smem:$0x3F9A]  }
0x2e: {  	s3 =	simm.s32 @!p0 $0x1082;
	s9 =	sld [smem:$0x3F9B]  }
0x2f: {  	lr =	sadd.s32 s0, s3;
	s0 =	sld [smem:$0x3F92]  }
0x30: {  	s3 =	sld [smem:$0x3F95]  }
0x31: {  	[smem:$0x3F9E] =	sst s10  }
0x32: {  	s10 =	sld [smem:$0x3F9C];
	_ =	sdelay $0x3  }
0x33: {  	p0 =	seq.s32 s10, $0x1;
	s10 =	sld [smem:$0x3F9E];
	_ =	sdelay $0x3  }
0x34: {  	[smem:$0x3F9E] =	sst s10  }
0x35: {  	s10 =	sld [smem:$0x3F9D];
	_ =	sdelay $0x3  }
0x36: {  	p1 =	seq.s32 s10, $0x1;
	s10 =	sld [smem:$0x3F9E];
	_ =	sdelay $0x3  }
0x37: {  	[smem:$0x3F9E] =	sst s10  }
0x38: {  	s10 =	sld [smem:$0x3F9F]  }
0x39: {  	_ = 	snop;
	(pc) =	sbr.ind lr, $3  }
0x3a: {  	_ = 	snop  }
0x3b: {  	_ = 	snop  }
0x3c: {  	p2 =	seq.s32 s10, $0x1;
	s10 =	sld [smem:$0x3F9E]  }
0x3d: {  	_ =	shalt  }
0x3e: {  	_ =	shalt  }
0x3f: {  	_ =	shalt  }
0x40: {  	_ =	shalt  }
0x41: {  	_ =	shalt  }
0x42: {  	_ =	shalt  }
0x43: {  	_ =	shalt  }
0x44: {  	_ =	shalt  }
0x45: {  	_ =	shalt  }
0x46: {  	_ =	shalt  }
0x47: {  	_ =	shalt  }
0x48: {  	_ =	shalt  }
0x49: {  	_ =	shalt  }
0x4a: {  	_ =	shalt  }
0x4b: {  	_ =	shalt  }
0x4c: {  	_ =	shalt  }
0x4d: {  	_ =	shalt  }
0x4e: {  	_ =	shalt  }
0x4f: {  	_ =	shalt  }
0x50: {  	_ =	shalt  }
0x51: {  	_ =	shalt  }
0x52: {  	_ =	shalt  }
0x53: {  	_ =	shalt  }
0x54: {  	_ =	shalt  }
0x55: {  	_ =	shalt  }
0x56: {  	_ =	shalt  }
0x57: {  	_ =	shalt  }
0x58: {  	_ =	shalt  }
0x59: {  	_ =	shalt  }
0x5a: {  	_ =	shalt  }
0x5b: {  	_ =	shalt  }
0x5c: {  	_ =	shalt  }
0x5d: {  	_ =	shalt  }
0x5e: {  	_ =	shalt  }
0x5f: {  	_ =	shalt  }
0x60: {  	_ =	shalt  }
0x61: {  	_ =	shalt  }
0x62: {  	_ =	shalt  }
0x63: {  	_ =	shalt  }
0x64: {  	_ =	shalt  }
0x65: {  	_ =	shalt  }
0x66: {  	_ =	shalt  }
0x67: {  	_ =	shalt  }
0x68: {  	_ =	shalt  }
0x69: {  	_ =	shalt  }
0x6a: {  	_ =	shalt  }
0x6b: {  	_ =	shalt  }
0x6c: {  	_ =	shalt  }
0x6d: {  	_ =	shalt  }
0x6e: {  	_ =	shalt  }
0x6f: {  	_ =	shalt  }
0x70: {  	_ =	shalt  }
0x71: {  	_ =	shalt  }
0x72: {  	_ =	shalt  }
0x73: {  	_ =	shalt  }
0x74: {  	_ =	shalt  }
0x75: {  	_ =	shalt  }
0x76: {  	_ =	shalt  }
0x77: {  	_ =	shalt  }
0x78: {  	_ =	shalt  }
0x79: {  	_ =	shalt  }
0x7a: {  	_ =	shalt  }
0x7b: {  	_ =	shalt  }
0x7c: {  	_ =	shalt  }
0x7d: {  	_ =	shalt  }
0x7e: {  	_ =	shalt  }
0x7f: {  	_ =	shalt  }
0x80: {  	_ =	shalt  }
0x81: {  	_ =	shalt  }
0x82: {  	_ =	shalt  }
0x83: {  	_ =	shalt  }
0x84: {  	_ =	shalt  }
0x85: {  	_ =	shalt  }
0x86: {  	_ =	shalt  }
0x87: {  	_ =	shalt  }
.Lfunc_end0:
.L_simem_size_0:
called_computation.3_lowered:
.L_overlay_start_0:
0x88: {  	s2 =	sld [smem:$0x3FD9]  }
0x89: {  	s3 =	sld [smem:$0x3FFE];
	_ =	sdelay $0x1  }
0x8a: {  	s1 =	srdreg.scid  }
0x8b: {  	s0 =	sand.u32 $0x1, s1  }
0x8c: {  	s16 =	sshll.u32 s0, $0xA;
	s2 =	sadd.s32 s3, s2  }
0x8d: {  	s2 =	sadd.s32 s2, s16  }
0x8e: {  	[smem:$0x3FAA] =	sst s2  }
0x8f: {  	_ = 	snop  }
0x90: {  	(tm) =	ssettm $0x1  }
0x91: {  	s17 =	sld [smem:$0x3FFB];
	_ =	sdelay $0x3  }
0x92: {  	_ =	strace s17  }
0x93: {  	s2 =	sld [smem:$0x3FFC];
	_ =	sdelay $0x3  }
0x94: {  	_ =	strace s2  }
0x95: {  	s2 =	sld [smem:$0x3FFD];
	_ =	sdelay $0x3  }
0x96: {  	_ =	strace s2  }
0x97: {  	_ =	strace $0x8FFFFFFF  }
0x98: {  	s18 =	sld [smem:$0x3FDB];
	_ =	sdelay $0x1  }
0x99: {  	s19 =	simm.s32 $_scs_section_size  }
0x9a: {  	s4 =	simm.s32 $_size__tile_overlayer_lowered;
	s5 =	simm.s32 $_tile_overlayer_lowered  }
0x9b: {  	s22 =	simm.s32 $0x1BFF;
	s21 =	sshll.u32 s5, $0x1;
	s2 =	sadd.s32 s19, s18  }
0x9c: {  	s6 =	simm.s32 $0x0;
	s20 =	sshll.u32 s4, $0x1;
	s4 =	sadd.s32 s21, s2  }
0x9d: {  	[timem:s6], [sflag:s22] =	dma.local [hbm:s4], s20  }
0x9e: {  	_ =	swait.ge [sflag:s22], s20  }
0x9f: {  	s3 =	ssub.s32 $0x0, s20;
	[sflag:s22] =	ssyncset.done $0x0  }
0xa0: {  	[sflag:s22] =	ssyncadd.s32 s3;
	_ =	sdelay $0x1  }
0xa1: {  	s23 =	simm.s32 $0x1B8B  }
0xa2: {  	_ =	swait.ge [sflag:s23], $0x1  }
0xa3: {  	[sflag:s23] =	ssyncset.done $0x0  }
0xa4: {  	s25 =	simm.s32 $0x1B8E;
	s24 =	sld [smem:$0x3FFE];
	[sflag:s23] =	ssyncadd.s32 $0xFFFFFFFF  }
0xa5: {  	s26 =	simm.s32 $execute0_lowered;
	[smem:$0x3FD2] =	sst s25  }
0xa6: {  	s4 =	sshll.u32 s26, $0x1;
	_ =	strace $0x8000004C;
	[dreg:$0x1] =	wrdreg $0xFFFFFFFF  }
0xa7: {  	s28 =	simm.s32 $_size_execute0_lowered;
	s2 =	sadd.s32 s2, s4;
	[dreg:$0x0] =	wrdreg $0x0  }
0xa8: {  	s4 =	sshll.u32 s28, $0x1;
	[dreg:$0x2] =	wrdreg s2  }
0xa9: {  	[dreg:$0x3] =	wrdreg s4  }
0xaa: {  	[dreg:$0x4] =	wrdreg $0xC0  }
0xab: {  	_ =	task [dreg:s6], $0x5FFFF  }
0xac: {  	[dreg:$0x1] =	wrdreg $0xFFFFFFFF  }
0xad: {  	[dreg:$0x0] =	wrdreg $0x60  }
0xae: {  	[dreg:$0x2] =	wrdreg s24  }
0xaf: {  	[dreg:$0x3] =	wrdreg $0x9  }
0xb0: {  	_ =	task.clear_ibuf [dreg:s6], $0x4FFFF;
	_ =	strace $0x9000004C  }
0xb1: {  	s29 =	simm.s32 $0x9;
	_ =	strace $0x8000004E  }
0xb2: {  	_ =	swait.ge [sflag:s29], $0x1  }
0xb3: {  	[sflag:s29] =	ssyncadd.s32 $0xFFFFFFFF  }
0xb4: {  	_ =	strace $0x9000004E  }
0xb5: {  	_ =	sfence  }
0xb6: {  	s30 =	sld [smem:$0x0];
	_ =	sdelay $0x2  }
0xb7: {  	s31 =	sshll.u32 s1, $0xD;
	s1 =	sshrl.u32 s1, $0x2  }
0xb8: {  	s3 =	sand.u32 $0x4000, s31;
	s1 =	sadd.s32 s1, s30  }
0xb9: {  	s0 =	sor.u32 s3, s0;
	s1 =	sshll.u32 s1, $0x11  }
0xba: {  	s0 =	sor.u32 s1, s0  }
0xbb: {  	s0 =	sadd.s32 $0x8F2B, s0  }
0xbc: {  	[sflag:s0] =	ssyncadd.remote.s32 $0x1  }
0xbd: {  	_ =	sfence.sel $0xFFFF  }
0xbe: {  	[dreg:$0x0] =	wrdreg $0xFFFFFFFF;
	(pc) =	sbr.abs _section_cstart, $3  }
0xbf: {  	[dreg:$0x1] =	wrdreg $0xFFFFFFFF  }
0xc0: {  	_ =	task.clear_ibuf [dreg:s6], $0x2FFFF;
	_ =	strace $0x9FFFFFFF  }
0xc1: {  	(tm) =	ssettm $0x7FFFFFFF  }
tec
execute0_lowered:
.L_overlay_start_1:
0x0: {  	(tag) =	ssettag $0x1  }
0x1: {  	s4 =	rddreg [dreg:$0x0]  }
0x2: {  	s0 =	rddreg [dreg:$0x1];
	s2 =	simm.s32 $0x0;
	s3 =	srdreg.scid  }
0x3: {  	s1 =	stileid.u32;
	s10 =	simm.s32 $0x0;
	[smem:$0x7FF] =	sst s2  }
0x4: {  	s5 =	sand.u32 $0x1, s3;
	s6 =	sshll.u32 s1, $0xF;
	s3 =	sadd.s32 $0x96000, s4  }
0x5: {  	s8 =	sshll.u32 s1, $0x13;
	_ =	strace $0x8000004D;
	s7 =	sshll.u32 s5, $0xE  }
0x6: {  	s31 =	ssub.s32 $0x2, s5;
	s8 =	sadd.s32 s8, s4;
	s5 =	sshll.u32 s5, $0x12  }
0x7: {  	s6 =	sor.u32 s7, s6;
	s9 =	sshrl.u32 s31, $0x1;
	s5 =	sadd.s32 s5, s8  }
0x8: {  	s8 =	simm.s32 $0x200;
	s6 =	sshrl.u32 s6, $0x3;
	s7 =	ssub.s32 s31, s9  }
0x9: {  	s5 =	sadd.s32 $0x116000, s5;
	s9 =	simm.s32 $0x1;
	s6 =	sadd.s32 s6, s4  }
0xa: {  	s4 =	smax.u32 s7, $0x1;
	s7 =	simm.s32 $0x2;
	s6 =	sadd.s32 $0x86000, s6  }
.LBB2_1:
0xb: {  	s11 =	sadd.s32 $0x0, s6  }
0xc: {  	[tilespmem:s2], [sflag:$0x2] =	stream.linear.gather [hbm4b:s11+s2], $0x200, $0x38;
	[tilespmem:$0x10200] =	vst v63  }
0xd: {  	_ =	swait.ge [sflag:s7], $0x200  }
0xe: {  	[sflag:s7] =	ssyncset.done $0x0  }
0xf: {  	[sflag:s7] =	ssyncadd.s32 $0xFFFFFE00  }
0x10: {  	[tilespmem:s8], [sflag:$0x1] =	stream.indirect.gather [hbm4b:s3+s8], $0x80, s2, s8, $0xb8;
	[tilespmem:$0x10200] =	vst v63  }
0x11: {  	_ =	swait.ge [sflag:s9], $0x10000  }
0x12: {  	[sflag:s9] =	ssyncset.done $0x0  }
0x13: {  	[sflag:s9] =	ssyncadd.s32 $0xFFFF0000  }
0x14: {  	[hbm4b:s5+s2] =	stream.linear.scatter [tilespmem:s8], [sflag:$0x2], $0x10000, $0x38;
	[tilespmem:$0x10200] =	vst v63  }
0x15: {  	s12 =	simm.s32 $0x40;
	_ =	swait.ge [sflag:s7], $0x10000  }
0x16: {  	s13 =	simm.s32 $0x80;
	s11 =	sadd.s32 $0x2000, s5;
	[sflag:s7] =	ssyncset.done $0x0  }
.LBB2_2:
0x17: {  	s14 =	sadd.s32 s12, s6  }
0x18: {  	[sflag:s7] =	ssyncadd.s32 $0xFFFF0000;
	s12 =	smov.u32 s13;
	s15 =	sadd.s32 $0x40, s13  }
0x19: {  	[tilespmem:s2], [sflag:$0x2] =	stream.linear.gather [hbm4b:s14+s2], $0x200, $0x38;
	[tilespmem:$0x10200] =	vst v63  }
0x1a: {  	p0 =	sne.s32 s13, $0x7C0;
	_ =	swait.ge [sflag:s7], $0x200  }
0x1b: {  	[sflag:s7] =	ssyncset.done $0x0  }
0x1c: {  	[sflag:s7] =	ssyncadd.s32 $0xFFFFFE00  }
0x1d: {  	[tilespmem:s8], [sflag:$0x1] =	stream.indirect.gather [hbm4b:s3+s8], $0x80, s2, s8, $0xb8;
	[tilespmem:$0x10200] =	vst v63  }
0x1e: {  	_ =	swait.ge [sflag:s9], $0x10000  }
.Ltmp0:
0x1f: {  	[sflag:s9] =	ssyncset.done $0x0;
	(pc) =	sbr.rel @p0 .LBB2_2-.Ltmp0, $4  }
0x20: {  	[sflag:s9] =	ssyncadd.s32 $0xFFFF0000  }
0x21: {  	[hbm4b:s11+s2] =	stream.linear.scatter [tilespmem:s8], [sflag:$0x2], $0x10000, $0x38;
	[tilespmem:$0x10200] =	vst v63  }
0x22: {  	_ =	swait.ge [sflag:s7], $0x10000  }
0x23: {  	s13 =	smov.u32 s15;
	s11 =	sadd.s32 $0x2000, s11;
	[sflag:s7] =	ssyncset.done $0x0  }
0x24: {  	s12 =	sadd.s32 s12, s6;
	[sflag:s7] =	ssyncadd.s32 $0xFFFF0000  }
0x25: {  	[tilespmem:s2], [sflag:$0x2] =	stream.linear.gather [hbm4b:s12+s2], $0x200, $0x38;
	[tilespmem:$0x10200] =	vst v63  }
0x26: {  	_ =	swait.ge [sflag:s7], $0x200  }
0x27: {  	[sflag:s7] =	ssyncset.done $0x0  }
0x28: {  	[sflag:s7] =	ssyncadd.s32 $0xFFFFFE00  }
0x29: {  	[tilespmem:s8], [sflag:$0x1] =	stream.indirect.gather [hbm4b:s3+s8], $0x80, s2, s8, $0xb8;
	[tilespmem:$0x10200] =	vst v63  }
0x2a: {  	s10 =	sadd.s32 $0x1, s10;
	_ =	swait.ge [sflag:s9], $0x10000  }
0x2b: {  	p0 =	sne.s32 s10, s4;
	[sflag:s9] =	ssyncset.done $0x0  }
.Ltmp1:
0x2c: {  	[sflag:s9] =	ssyncadd.s32 $0xFFFF0000;
	(pc) =	sbr.rel @p0 .LBB2_1-.Ltmp1, $4  }
0x2d: {  	[hbm4b:s11+s2] =	stream.linear.scatter [tilespmem:s8], [sflag:$0x2], $0x10000, $0x38;
	[tilespmem:$0x10200] =	vst v63  }
0x2e: {  	_ =	swait.ge [sflag:s7], $0x10000  }
0x2f: {  	[sflag:s7] =	ssyncset.done $0x0  }
0x30: {  	[sflag:s7] =	ssyncadd.s32 $0xFFFF0000  }
0x31: {  	_ =	sfence.sel $0x180000  }
0x32: {  	[bflag:$0x0] =	sbarrier.arrive $0xFFFF  }
0x33: {  	p0 =	sne.s32 s1, $0x0;
	_ =	strace $0x9000004D  }
0x34: {  	s0 =	sadd.s32 @!p0 $0x100000, s0;
	[bflag:$0x2] =	sbarrier.arrive $0xFFFF  }
0x35: {  	[sflag:s0] =	ssyncadd.tile.s32 @!p0 $0x1;
	_ =	shalt  }
.Lfunc_end2:
_tile_overlayer_lowered:
.L_overlay_start_2:
0x36: {  	(tag) =	ssettag $0x2  }
0x37: {  	s0 =	rddreg [dreg:$0x0];
	s2 =	stileid.u32  }
0x38: {  	s1 =	rddreg [dreg:$0x1];
	p0 =	sne.s32 s2, $0x0  }
0x39: {  	s3 =	rddreg [dreg:$0x2];
	[bflag:$0x3] =	sbarrier.arrive $0xFFFF;
	s2 =	simm.s32 @!p0 $0x1C02  }
0x3a: {  	[timem:s3], [sflag:s2] =	dma.local @!p0 [hbm:s0], s1  }
0x3b: {  	s0 =	simm.s32 @!p0 $0x2  }
0x3c: {  	_ =	swait.ge @!p0 [sflag:s0], s1  }
0x3d: {  	s1 =	ssub.s32 @!p0 $0x0, s1;
	[sflag:s0] =	ssyncset.done @!p0 $0x0  }
0x3e: {  	[sflag:s0] =	ssyncadd.s32 @!p0 s1  }
0x3f: {  	[bflag:$0x3] =	sbarrier.arrive $0xFFFF  }
0x40: {  	_ =	shalt  }

// kernel: kernel.13.cloned.1.call-start
scs
__scs_entry_jumppad:
0x0: {  	(pc) =	sbr.rel $0x88, $3  }
0x1: {  	(tag) =	ssettag $0x0;
	lr =	simm.s32 $0x1  }
0x2: {  	[smem:$0x3F83] =	sst lr;
	_ =	strace $0xD0000000  }
0x3: {  	_ = 	snop  }
0x4: {  	_ = 	snop  }
0x5: {  	_ = 	snop  }
0x6: {  	_ = 	snop  }
0x7: {  	_ = 	snop  }
__scs_overlays_trampoline_lowered:
0x8: {  	[smem:$0x3F92] =	sst s0  }
0x9: {  	[smem:$0x3F93] =	sst s1  }
0xa: {  	[smem:$0x3F94] =	sst s2  }
0xb: {  	[smem:$0x3F95] =	sst s3  }
0xc: {  	[smem:$0x3F96] =	sst s4  }
0xd: {  	[smem:$0x3F97] =	sst s5  }
0xe: {  	[smem:$0x3F98] =	sst s6  }
0xf: {  	[smem:$0x3F99] =	sst s7  }
0x10: {  	[smem:$0x3F9A] =	sst s8  }
0x11: {  	[smem:$0x3F9B] =	sst s9;
	s0 =	simm.s32 @!p0 $0x0  }
0x12: {  	s1 =	sld [smem:$0x3F81];
	s0 =	simm.s32 @p0 $0x1  }
0x13: {  	[smem:$0x3F9C] =	sst s0;
	s0 =	simm.s32 @!p1 $0x0  }
0x14: {  	s2 =	sld [smem:$0x3F80];
	s0 =	simm.s32 @p1 $0x1  }
0x15: {  	[smem:$0x3F9D] =	sst s0;
	s0 =	simm.s32 @!p2 $0x0  }
0x16: {  	s3 =	sld [smem:$0x3FDB];
	s0 =	simm.s32 @p2 $0x1  }
0x17: {  	s4 =	simm.s32 $0x1BF5;
	[smem:$0x3F9F] =	sst s0  }
0x18: {  	s0 =	sld [smem:$0x3F82];
	_ =	swait.ge [sflag:s4], $0x0  }
0x19: {  	s7 =	sld [smem:$0x3F83]  }
0x1a: {  	s8 =	sadd.s32 $0xFFFFE003, lr  }
0x1b: {  	s9 =	sadd.s32 $0xFFFFFEF7, lr;
	s5 =	simm.s32 $0xFFFFFFFF;
	p2 =	slt.u32 s8, $0xFFFFF086  }
0x1c: {  	p1 =	slt.u32 s9, $0xF7A;
	s5 =	simm.s32 @!p2 $0x0  }
0x1d: {  	s5 =	simm.s32 @p1 $0x1;
	p0 =	seq.s32 s7, s2  }
0x1e: {  	s7 =	smul.u32 @!p0 $0xF7A, s2;
	p2 =	seq.s32 @!p0 s5, $0x0  }
0x1f: {  	s9 =	smul.u32 $0xF7A, s1;
	s8 =	simm.s32 @!p0 $0x1BF5;
	p2 =	por !p2, p0  }
0x20: {  	[sflag:s8] =	ssyncset.s32 @!p0 $0xFFFFF086;
	s6 =	sadd.s32 @!p0 s3, s7;
	s7 =	simm.s32 @!p0 $0x108  }
0x21: {  	s3 =	sadd.s32 s3, s9;
	s6 =	sadd.s32 @!p0 $0x88, s6;
	s7 =	simm.s32 @p2 $0x1082  }
0x22: {  	[simem:s7], [sflag:s8] =	dma.local @!p0 [hbm:s6], $0xF7A  }
0x23: {  	s9 =	sor.u32 $0xD0000000, s2;
	s6 =	simm.s32 $0x108;
	_ =	swait.ge @!p0 [sflag:s8], $0x0  }
0x24: {  	s3 =	sadd.s32 $0x88, s3;
	s6 =	simm.s32 @!p1 $0x1082;
	[sflag:s4] =	ssyncset.s32 $0xFFFFF086  }
0x25: {  	[simem:s6], [sflag:s4] =	dma.local [hbm:s3], $0xF7A  }
0x26: {  	[smem:$0x3F83] =	sst s1;
	(tag) =	ssettag s2;
	_ =	strace s9  }
0x27: {  	s1 =	sld [smem:$0x3F93]  }
0x28: {  	s2 =	sld [smem:$0x3F94]  }
0x29: {  	s4 =	sld [smem:$0x3F96]  }
0x2a: {  	p0 =	seq.s32 s5, $0x0;
	s5 =	sld [smem:$0x3F97]  }
0x2b: {  	s6 =	sld [smem:$0x3F98]  }
0x2c: {  	s7 =	sld [smem:$0x3F99]  }
0x2d: {  	s3 =	simm.s32 $0x108;
	s8 =	sld [smem:$0x3F9A]  }
0x2e: {  	s3 =	simm.s32 @!p0 $0x1082;
	s9 =	sld [smem:$0x3F9B]  }
0x2f: {  	lr =	sadd.s32 s0, s3;
	s0 =	sld [smem:$0x3F92]  }
0x30: {  	s3 =	sld [smem:$0x3F95]  }
0x31: {  	[smem:$0x3F9E] =	sst s10  }
0x32: {  	s10 =	sld [smem:$0x3F9C];
	_ =	sdelay $0x3  }
0x33: {  	p0 =	seq.s32 s10, $0x1;
	s10 =	sld [smem:$0x3F9E];
	_ =	sdelay $0x3  }
0x34: {  	[smem:$0x3F9E] =	sst s10  }
0x35: {  	s10 =	sld [smem:$0x3F9D];
	_ =	sdelay $0x3  }
0x36: {  	p1 =	seq.s32 s10, $0x1;
	s10 =	sld [smem:$0x3F9E];
	_ =	sdelay $0x3  }
0x37: {  	[smem:$0x3F9E] =	sst s10  }
0x38: {  	s10 =	sld [smem:$0x3F9F]  }
0x39: {  	_ = 	snop;
	(pc) =	sbr.ind lr, $3  }
0x3a: {  	_ = 	snop  }
0x3b: {  	_ = 	snop  }
0x3c: {  	p2 =	seq.s32 s10, $0x1;
	s10 =	sld [smem:$0x3F9E]  }
0x3d: {  	_ =	shalt  }
0x3e: {  	_ =	shalt  }
0x3f: {  	_ =	shalt  }
0x40: {  	_ =	shalt  }
0x41: {  	_ =	shalt  }
0x42: {  	_ =	shalt  }
0x43: {  	_ =	shalt  }
0x44: {  	_ =	shalt  }
0x45: {  	_ =	shalt  }
0x46: {  	_ =	shalt  }
0x47: {  	_ =	shalt  }
0x48: {  	_ =	shalt  }
0x49: {  	_ =	shalt  }
0x4a: {  	_ =	shalt  }
0x4b: {  	_ =	shalt  }
0x4c: {  	_ =	shalt  }
0x4d: {  	_ =	shalt  }
0x4e: {  	_ =	shalt  }
0x4f: {  	_ =	shalt  }
0x50: {  	_ =	shalt  }
0x51: {  	_ =	shalt  }
0x52: {  	_ =	shalt  }
0x53: {  	_ =	shalt  }
0x54: {  	_ =	shalt  }
0x55: {  	_ =	shalt  }
0x56: {  	_ =	shalt  }
0x57: {  	_ =	shalt  }
0x58: {  	_ =	shalt  }
0x59: {  	_ =	shalt  }
0x5a: {  	_ =	shalt  }
0x5b: {  	_ =	shalt  }
0x5c: {  	_ =	shalt  }
0x5d: {  	_ =	shalt  }
0x5e: {  	_ =	shalt  }
0x5f: {  	_ =	shalt  }
0x60: {  	_ =	shalt  }
0x61: {  	_ =	shalt  }
0x62: {  	_ =	shalt  }
0x63: {  	_ =	shalt  }
0x64: {  	_ =	shalt  }
0x65: {  	_ =	shalt  }
0x66: {  	_ =	shalt  }
0x67: {  	_ =	shalt  }
0x68: {  	_ =	shalt  }
0x69: {  	_ =	shalt  }
0x6a: {  	_ =	shalt  }
0x6b: {  	_ =	shalt  }
0x6c: {  	_ =	shalt  }
0x6d: {  	_ =	shalt  }
0x6e: {  	_ =	shalt  }
0x6f: {  	_ =	shalt  }
0x70: {  	_ =	shalt  }
0x71: {  	_ =	shalt  }
0x72: {  	_ =	shalt  }
0x73: {  	_ =	shalt  }
0x74: {  	_ =	shalt  }
0x75: {  	_ =	shalt  }
0x76: {  	_ =	shalt  }
0x77: {  	_ =	shalt  }
0x78: {  	_ =	shalt  }
0x79: {  	_ =	shalt  }
0x7a: {  	_ =	shalt  }
0x7b: {  	_ =	shalt  }
0x7c: {  	_ =	shalt  }
0x7d: {  	_ =	shalt  }
0x7e: {  	_ =	shalt  }
0x7f: {  	_ =	shalt  }
0x80: {  	_ =	shalt  }
0x81: {  	_ =	shalt  }
0x82: {  	_ =	shalt  }
0x83: {  	_ =	shalt  }
0x84: {  	_ =	shalt  }
0x85: {  	_ =	shalt  }
0x86: {  	_ =	shalt  }
0x87: {  	_ =	shalt  }
.Lfunc_end0:
.L_simem_size_0:
called_computation.4_lowered:
.L_overlay_start_0:
0x88: {  	s2 =	sld [smem:$0x3FD9]  }
0x89: {  	s3 =	sld [smem:$0x3FFE];
	_ =	sdelay $0x1  }
0x8a: {  	s1 =	srdreg.scid  }
0x8b: {  	s0 =	sand.u32 $0x1, s1  }
0x8c: {  	s16 =	sshll.u32 s0, $0xA;
	s2 =	sadd.s32 s3, s2  }
0x8d: {  	s2 =	sadd.s32 s2, s16  }
0x8e: {  	[smem:$0x3FAA] =	sst s2  }
0x8f: {  	_ = 	snop  }
0x90: {  	(tm) =	ssettm $0x1  }
0x91: {  	s17 =	sld [smem:$0x3FFB];
	_ =	sdelay $0x3  }
0x92: {  	_ =	strace s17  }
0x93: {  	s2 =	sld [smem:$0x3FFC];
	_ =	sdelay $0x3  }
0x94: {  	_ =	strace s2  }
0x95: {  	s2 =	sld [smem:$0x3FFD];
	_ =	sdelay $0x3  }
0x96: {  	_ =	strace s2  }
0x97: {  	_ =	strace $0x8FFFFFFF  }
0x98: {  	s18 =	sld [smem:$0x3FDB];
	_ =	sdelay $0x1  }
0x99: {  	s19 =	simm.s32 $_scs_section_size  }
0x9a: {  	s4 =	simm.s32 $_size__tile_overlayer_lowered;
	s5 =	simm.s32 $_tile_overlayer_lowered  }
0x9b: {  	s22 =	simm.s32 $0x1BFF;
	s21 =	sshll.u32 s5, $0x1;
	s2 =	sadd.s32 s19, s18  }
0x9c: {  	s6 =	simm.s32 $0x0;
	s20 =	sshll.u32 s4, $0x1;
	s4 =	sadd.s32 s21, s2  }
0x9d: {  	[timem:s6], [sflag:s22] =	dma.local [hbm:s4], s20  }
0x9e: {  	_ =	swait.ge [sflag:s22], s20  }
0x9f: {  	s3 =	ssub.s32 $0x0, s20;
	[sflag:s22] =	ssyncset.done $0x0  }
0xa0: {  	[sflag:s22] =	ssyncadd.s32 s3;
	_ =	sdelay $0x1  }
0xa1: {  	s23 =	simm.s32 $0x1B8B  }
0xa2: {  	_ =	swait.ge [sflag:s23], $0x1  }
0xa3: {  	[sflag:s23] =	ssyncset.done $0x0  }
0xa4: {  	s25 =	simm.s32 $0x1B8E;
	s24 =	sld [smem:$0x3FFE];
	[sflag:s23] =	ssyncadd.s32 $0xFFFFFFFF  }
0xa5: {  	s26 =	simm.s32 $execute0_lowered;
	[smem:$0x3FD2] =	sst s25  }
0xa6: {  	s4 =	sshll.u32 s26, $0x1;
	_ =	strace $0x80000052;
	[dreg:$0x1] =	wrdreg $0xFFFFFFFF  }
0xa7: {  	s28 =	simm.s32 $_size_execute0_lowered;
	s2 =	sadd.s32 s2, s4;
	[dreg:$0x0] =	wrdreg $0x0  }
0xa8: {  	s4 =	sshll.u32 s28, $0x1;
	[dreg:$0x2] =	wrdreg s2  }
0xa9: {  	[dreg:$0x3] =	wrdreg s4  }
0xaa: {  	[dreg:$0x4] =	wrdreg $0xC0  }
0xab: {  	_ =	task [dreg:s6], $0x5FFFF  }
0xac: {  	[dreg:$0x1] =	wrdreg $0xFFFFFFFF  }
0xad: {  	[dreg:$0x0] =	wrdreg $0x60  }
0xae: {  	[dreg:$0x2] =	wrdreg s24  }
0xaf: {  	[dreg:$0x3] =	wrdreg $0x9  }
0xb0: {  	_ =	task.clear_ibuf [dreg:s6], $0x4FFFF;
	_ =	strace $0x90000052  }
0xb1: {  	s29 =	simm.s32 $0x9;
	_ =	strace $0x80000054  }
0xb2: {  	_ =	swait.ge [sflag:s29], $0x1  }
0xb3: {  	[sflag:s29] =	ssyncadd.s32 $0xFFFFFFFF  }
0xb4: {  	_ =	strace $0x90000054  }
0xb5: {  	_ =	sfence  }
0xb6: {  	s30 =	sld [smem:$0x0];
	_ =	sdelay $0x2  }
0xb7: {  	s31 =	sshll.u32 s1, $0xD;
	s1 =	sshrl.u32 s1, $0x2  }
0xb8: {  	s3 =	sand.u32 $0x4000, s31;
	s1 =	sadd.s32 s1, s30  }
0xb9: {  	s0 =	sor.u32 s3, s0;
	s1 =	sshll.u32 s1, $0x11  }
0xba: {  	s0 =	sor.u32 s1, s0  }
0xbb: {  	s0 =	sadd.s32 $0x8F2B, s0  }
0xbc: {  	[sflag:s0] =	ssyncadd.remote.s32 $0x1  }
0xbd: {  	_ =	sfence.sel $0xFFFF  }
0xbe: {  	[dreg:$0x0] =	wrdreg $0xFFFFFFFF;
	(pc) =	sbr.abs _section_cstart, $3  }
0xbf: {  	[dreg:$0x1] =	wrdreg $0xFFFFFFFF  }
0xc0: {  	_ =	task.clear_ibuf [dreg:s6], $0x2FFFF;
	_ =	strace $0x9FFFFFFF  }
0xc1: {  	(tm) =	ssettm $0x7FFFFFFF  }
tec
execute0_lowered:
.L_overlay_start_1:
0x0: {  	(tag) =	ssettag $0x1  }
0x1: {  	s1 =	srdreg.scid  }
0x2: {  	s0 =	stileid.u32;
	s6 =	sand.u32 $0x1, s1  }
0x3: {  	s30 =	sshll.u32 s0, $0x9;
	s2 =	sshll.u32 s6, $0x8  }
0x4: {  	s8 =	rddreg [dreg:$0x0];
	s9 =	sor.u32 s2, s30  }
0x5: {  	s1 =	rddreg [dreg:$0x1];
	s2 =	simm.s32 $0x0;
	s3 =	sshrl.u32 s9, $0x3  }
0x6: {  	s10 =	ssub.s32 $0x2, s6;
	[smem:$0x7FF] =	sst s2;
	s3 =	sadd.s32 s3, s8  }
0x7: {  	_ =	strace $0x80000053;
	s4 =	sadd.s32 $0x40800, s3;
	s3 =	simm.s32 $0x2  }
0x8: {  	[tilespmem:s2], [sflag:$0x2] =	stream.linear.gather [hbm4b:s4+s2], $0x100, $0x38;
	[tilespmem:$0x8100] =	vst v63  }
0x9: {  	s7 =	simm.s32 $0x1;
	s11 =	sshrl.u32 s10, $0x1;
	_ =	swait.ge [sflag:s3], $0x100  }
0xa: {  	s5 =	sadd.s32 $0x40C00, s8;
	s10 =	ssub.s32 s10, s11;
	[sflag:s3] =	ssyncset.done $0x0  }
0xb: {  	s6 =	simm.s32 $0x100;
	s31 =	smax.u32 s10, $0x1;
	[sflag:s3] =	ssyncadd.s32 $0xFFFFFF00  }
0xc: {  	[tilespmem:s6], [sflag:$0x1] =	stream.indirect.gather [hbm4b:s5+s6], $0x80, s2, s6, $0xb8;
	[tilespmem:$0x8100] =	vst v63  }
0xd: {  	p0 =	sne.s32 s31, $0x1;
	_ =	swait.ge [sflag:s7], $0x8000  }
.Ltmp0:
0xe: {  	s9 =	sshll.u32 s9, $0x4;
	[sflag:s7] =	ssyncset.done $0x0;
	(pc) =	sbr.rel @!p0 .LBB2_2-.Ltmp0, $4  }
0xf: {  	s8 =	sadd.s32 s8, s9;
	[sflag:s7] =	ssyncadd.s32 $0xFFFF8000  }
0x10: {  	[hbm4b:s8+s2] =	stream.linear.scatter [tilespmem:s6], [sflag:$0x2], $0x8000, $0x38;
	[tilespmem:$0x8100] =	vst v63  }
0x11: {  	_ =	swait.ge [sflag:s3], $0x8000  }
0x12: {  	s9 =	sadd.s32 $0xFFFFFFFF, s31;
	[sflag:s3] =	ssyncset.done $0x0  }
.LBB2_1:
0x13: {  	p0 =	sne.s32 s9, $0x1;
	s9 =	sadd.s32 $0xFFFFFFFF, s9;
	[sflag:s3] =	ssyncadd.s32 $0xFFFF8000  }
0x14: {  	[tilespmem:s2], [sflag:$0x2] =	stream.linear.gather [hbm4b:s4+s2], $0x100, $0x38;
	[tilespmem:$0x8100] =	vst v63  }
0x15: {  	_ =	swait.ge [sflag:s3], $0x100  }
0x16: {  	[sflag:s3] =	ssyncset.done $0x0  }
0x17: {  	[sflag:s3] =	ssyncadd.s32 $0xFFFFFF00  }
0x18: {  	[tilespmem:s6], [sflag:$0x1] =	stream.indirect.gather [hbm4b:s5+s6], $0x80, s2, s6, $0xb8;
	[tilespmem:$0x8100] =	vst v63  }
0x19: {  	_ =	swait.ge [sflag:s7], $0x8000  }
.Ltmp1:
0x1a: {  	[sflag:s7] =	ssyncset.done $0x0;
	(pc) =	sbr.rel @p0 .LBB2_1-.Ltmp1, $4  }
0x1b: {  	[sflag:s7] =	ssyncadd.s32 $0xFFFF8000  }
0x1c: {  	[hbm4b:s8+s2] =	stream.linear.scatter [tilespmem:s6], [sflag:$0x2], $0x8000, $0x38;
	[tilespmem:$0x8100] =	vst v63  }
0x1d: {  	_ =	swait.ge [sflag:s3], $0x8000  }
0x1e: {  	[sflag:s3] =	ssyncset.done $0x0  }
.LBB2_2:
0x1f: {  	[sflag:s3] =	ssyncadd.s32 $0xFFFF8000  }
0x20: {  	_ =	sfence.sel $0x180000  }
0x21: {  	[bflag:$0x0] =	sbarrier.arrive $0xFFFF  }
0x22: {  	p0 =	sne.s32 s0, $0x0;
	_ =	strace $0x90000053  }
0x23: {  	s0 =	sadd.s32 @!p0 $0x100000, s1;
	[bflag:$0x2] =	sbarrier.arrive $0xFFFF  }
0x24: {  	[sflag:s0] =	ssyncadd.tile.s32 @!p0 $0x1;
	_ =	shalt  }
.Lfunc_end2:
_tile_overlayer_lowered:
.L_overlay_start_2:
0x25: {  	(tag) =	ssettag $0x2  }
0x26: {  	s0 =	rddreg [dreg:$0x0];
	s2 =	stileid.u32  }
0x27: {  	s1 =	rddreg [dreg:$0x1];
	p0 =	sne.s32 s2, $0x0  }
0x28: {  	s3 =	rddreg [dreg:$0x2];
	[bflag:$0x3] =	sbarrier.arrive $0xFFFF;
	s2 =	simm.s32 @!p0 $0x1C02  }
0x29: {  	[timem:s3], [sflag:s2] =	dma.local @!p0 [hbm:s0], s1  }
0x2a: {  	s0 =	simm.s32 @!p0 $0x2  }
0x2b: {  	_ =	swait.ge @!p0 [sflag:s0], s1  }
0x2c: {  	s1 =	ssub.s32 @!p0 $0x0, s1;
	[sflag:s0] =	ssyncset.done @!p0 $0x0  }
0x2d: {  	[sflag:s0] =	ssyncadd.s32 @!p0 s1  }
0x2e: {  	[bflag:$0x3] =	sbarrier.arrive $0xFFFF  }
0x2f: {  	_ =	shalt  }

// kernel: kernel.7.cloned.1.call-start
scs
__scs_entry_jumppad:
0x0: {  	(pc) =	sbr.rel $0x88, $3  }
0x1: {  	(tag) =	ssettag $0x0;
	lr =	simm.s32 $0x1  }
0x2: {  	[smem:$0x3F83] =	sst lr;
	_ =	strace $0xD0000000  }
0x3: {  	_ = 	snop  }
0x4: {  	_ = 	snop  }
0x5: {  	_ = 	snop  }
0x6: {  	_ = 	snop  }
0x7: {  	_ = 	snop  }
__scs_overlays_trampoline_lowered:
0x8: {  	[smem:$0x3F92] =	sst s0  }
0x9: {  	[smem:$0x3F93] =	sst s1  }
0xa: {  	[smem:$0x3F94] =	sst s2  }
0xb: {  	[smem:$0x3F95] =	sst s3  }
0xc: {  	[smem:$0x3F96] =	sst s4  }
0xd: {  	[smem:$0x3F97] =	sst s5  }
0xe: {  	[smem:$0x3F98] =	sst s6  }
0xf: {  	[smem:$0x3F99] =	sst s7  }
0x10: {  	[smem:$0x3F9A] =	sst s8  }
0x11: {  	[smem:$0x3F9B] =	sst s9;
	s0 =	simm.s32 @!p0 $0x0  }
0x12: {  	s1 =	sld [smem:$0x3F81];
	s0 =	simm.s32 @p0 $0x1  }
0x13: {  	[smem:$0x3F9C] =	sst s0;
	s0 =	simm.s32 @!p1 $0x0  }
0x14: {  	s2 =	sld [smem:$0x3F80];
	s0 =	simm.s32 @p1 $0x1  }
0x15: {  	[smem:$0x3F9D] =	sst s0;
	s0 =	simm.s32 @!p2 $0x0  }
0x16: {  	s3 =	sld [smem:$0x3FDB];
	s0 =	simm.s32 @p2 $0x1  }
0x17: {  	s4 =	simm.s32 $0x1BF5;
	[smem:$0x3F9F] =	sst s0  }
0x18: {  	s0 =	sld [smem:$0x3F82];
	_ =	swait.ge [sflag:s4], $0x0  }
0x19: {  	s7 =	sld [smem:$0x3F83]  }
0x1a: {  	s8 =	sadd.s32 $0xFFFFE003, lr  }
0x1b: {  	s9 =	sadd.s32 $0xFFFFFEF7, lr;
	s5 =	simm.s32 $0xFFFFFFFF;
	p2 =	slt.u32 s8, $0xFFFFF086  }
0x1c: {  	p1 =	slt.u32 s9, $0xF7A;
	s5 =	simm.s32 @!p2 $0x0  }
0x1d: {  	s5 =	simm.s32 @p1 $0x1;
	p0 =	seq.s32 s7, s2  }
0x1e: {  	s7 =	smul.u32 @!p0 $0xF7A, s2;
	p2 =	seq.s32 @!p0 s5, $0x0  }
0x1f: {  	s9 =	smul.u32 $0xF7A, s1;
	s8 =	simm.s32 @!p0 $0x1BF5;
	p2 =	por !p2, p0  }
0x20: {  	[sflag:s8] =	ssyncset.s32 @!p0 $0xFFFFF086;
	s6 =	sadd.s32 @!p0 s3, s7;
	s7 =	simm.s32 @!p0 $0x108  }
0x21: {  	s3 =	sadd.s32 s3, s9;
	s6 =	sadd.s32 @!p0 $0x88, s6;
	s7 =	simm.s32 @p2 $0x1082  }
0x22: {  	[simem:s7], [sflag:s8] =	dma.local @!p0 [hbm:s6], $0xF7A  }
0x23: {  	s9 =	sor.u32 $0xD0000000, s2;
	s6 =	simm.s32 $0x108;
	_ =	swait.ge @!p0 [sflag:s8], $0x0  }
0x24: {  	s3 =	sadd.s32 $0x88, s3;
	s6 =	simm.s32 @!p1 $0x1082;
	[sflag:s4] =	ssyncset.s32 $0xFFFFF086  }
0x25: {  	[simem:s6], [sflag:s4] =	dma.local [hbm:s3], $0xF7A  }
0x26: {  	[smem:$0x3F83] =	sst s1;
	(tag) =	ssettag s2;
	_ =	strace s9  }
0x27: {  	s1 =	sld [smem:$0x3F93]  }
0x28: {  	s2 =	sld [smem:$0x3F94]  }
0x29: {  	s4 =	sld [smem:$0x3F96]  }
0x2a: {  	p0 =	seq.s32 s5, $0x0;
	s5 =	sld [smem:$0x3F97]  }
0x2b: {  	s6 =	sld [smem:$0x3F98]  }
0x2c: {  	s7 =	sld [smem:$0x3F99]  }
0x2d: {  	s3 =	simm.s32 $0x108;
	s8 =	sld [smem:$0x3F9A]  }
0x2e: {  	s3 =	simm.s32 @!p0 $0x1082;
	s9 =	sld [smem:$0x3F9B]  }
0x2f: {  	lr =	sadd.s32 s0, s3;
	s0 =	sld [smem:$0x3F92]  }
0x30: {  	s3 =	sld [smem:$0x3F95]  }
0x31: {  	[smem:$0x3F9E] =	sst s10  }
0x32: {  	s10 =	sld [smem:$0x3F9C];
	_ =	sdelay $0x3  }
0x33: {  	p0 =	seq.s32 s10, $0x1;
	s10 =	sld [smem:$0x3F9E];
	_ =	sdelay $0x3  }
0x34: {  	[smem:$0x3F9E] =	sst s10  }
0x35: {  	s10 =	sld [smem:$0x3F9D];
	_ =	sdelay $0x3  }
0x36: {  	p1 =	seq.s32 s10, $0x1;
	s10 =	sld [smem:$0x3F9E];
	_ =	sdelay $0x3  }
0x37: {  	[smem:$0x3F9E] =	sst s10  }
0x38: {  	s10 =	sld [smem:$0x3F9F]  }
0x39: {  	_ = 	snop;
	(pc) =	sbr.ind lr, $3  }
0x3a: {  	_ = 	snop  }
0x3b: {  	_ = 	snop  }
0x3c: {  	p2 =	seq.s32 s10, $0x1;
	s10 =	sld [smem:$0x3F9E]  }
0x3d: {  	_ =	shalt  }
0x3e: {  	_ =	shalt  }
0x3f: {  	_ =	shalt  }
0x40: {  	_ =	shalt  }
0x41: {  	_ =	shalt  }
0x42: {  	_ =	shalt  }
0x43: {  	_ =	shalt  }
0x44: {  	_ =	shalt  }
0x45: {  	_ =	shalt  }
0x46: {  	_ =	shalt  }
0x47: {  	_ =	shalt  }
0x48: {  	_ =	shalt  }
0x49: {  	_ =	shalt  }
0x4a: {  	_ =	shalt  }
0x4b: {  	_ =	shalt  }
0x4c: {  	_ =	shalt  }
0x4d: {  	_ =	shalt  }
0x4e: {  	_ =	shalt  }
0x4f: {  	_ =	shalt  }
0x50: {  	_ =	shalt  }
0x51: {  	_ =	shalt  }
0x52: {  	_ =	shalt  }
0x53: {  	_ =	shalt  }
0x54: {  	_ =	shalt  }
0x55: {  	_ =	shalt  }
0x56: {  	_ =	shalt  }
0x57: {  	_ =	shalt  }
0x58: {  	_ =	shalt  }
0x59: {  	_ =	shalt  }
0x5a: {  	_ =	shalt  }
0x5b: {  	_ =	shalt  }
0x5c: {  	_ =	shalt  }
0x5d: {  	_ =	shalt  }
0x5e: {  	_ =	shalt  }
0x5f: {  	_ =	shalt  }
0x60: {  	_ =	shalt  }
0x61: {  	_ =	shalt  }
0x62: {  	_ =	shalt  }
0x63: {  	_ =	shalt  }
0x64: {  	_ =	shalt  }
0x65: {  	_ =	shalt  }
0x66: {  	_ =	shalt  }
0x67: {  	_ =	shalt  }
0x68: {  	_ =	shalt  }
0x69: {  	_ =	shalt  }
0x6a: {  	_ =	shalt  }
0x6b: {  	_ =	shalt  }
0x6c: {  	_ =	shalt  }
0x6d: {  	_ =	shalt  }
0x6e: {  	_ =	shalt  }
0x6f: {  	_ =	shalt  }
0x70: {  	_ =	shalt  }
0x71: {  	_ =	shalt  }
0x72: {  	_ =	shalt  }
0x73: {  	_ =	shalt  }
0x74: {  	_ =	shalt  }
0x75: {  	_ =	shalt  }
0x76: {  	_ =	shalt  }
0x77: {  	_ =	shalt  }
0x78: {  	_ =	shalt  }
0x79: {  	_ =	shalt  }
0x7a: {  	_ =	shalt  }
0x7b: {  	_ =	shalt  }
0x7c: {  	_ =	shalt  }
0x7d: {  	_ =	shalt  }
0x7e: {  	_ =	shalt  }
0x7f: {  	_ =	shalt  }
0x80: {  	_ =	shalt  }
0x81: {  	_ =	shalt  }
0x82: {  	_ =	shalt  }
0x83: {  	_ =	shalt  }
0x84: {  	_ =	shalt  }
0x85: {  	_ =	shalt  }
0x86: {  	_ =	shalt  }
0x87: {  	_ =	shalt  }
.Lfunc_end0:
.L_simem_size_0:
called_computation.2_lowered:
.L_overlay_start_0:
0x88: {  	s2 =	sld [smem:$0x3FD9]  }
0x89: {  	s3 =	sld [smem:$0x3FFE];
	_ =	sdelay $0x1  }
0x8a: {  	s1 =	srdreg.scid  }
0x8b: {  	s0 =	sand.u32 $0x1, s1  }
0x8c: {  	s17 =	sshll.u32 s0, $0xA;
	s2 =	sadd.s32 s3, s2  }
0x8d: {  	s2 =	sadd.s32 s2, s17  }
0x8e: {  	[smem:$0x3FAA] =	sst s2  }
0x8f: {  	_ = 	snop  }
0x90: {  	s2 =	sld [smem:$0x3FD0];
	(tm) =	ssettm $0x1  }
0x91: {  	s18 =	sld [smem:$0x3FFB];
	_ =	sdelay $0x3  }
0x92: {  	_ =	strace s18  }
0x93: {  	s3 =	sld [smem:$0x3FFC];
	_ =	sdelay $0x3  }
0x94: {  	_ =	strace s3  }
0x95: {  	s3 =	sld [smem:$0x3FFD];
	_ =	sdelay $0x3  }
0x96: {  	_ =	strace s3  }
0x97: {  	_ =	strace $0x8FFFFFFF  }
0x98: {  	s19 =	sld [smem:$0x3FDB];
	_ =	sdelay $0x1  }
0x99: {  	s4 =	simm.s32 $_scs_section_size  }
0x9a: {  	s5 =	simm.s32 $_size__tile_overlayer_lowered;
	s6 =	simm.s32 $_tile_overlayer_lowered  }
0x9b: {  	s22 =	simm.s32 $0x1BFF;
	s21 =	sshll.u32 s6, $0x1;
	s3 =	sadd.s32 s4, s19  }
0x9c: {  	s7 =	simm.s32 $0x0;
	s20 =	sshll.u32 s5, $0x1;
	s5 =	sadd.s32 s21, s3  }
0x9d: {  	[timem:s7], [sflag:s22] =	dma.local [hbm:s5], s20  }
0x9e: {  	_ =	swait.ge [sflag:s22], s20  }
0x9f: {  	s4 =	ssub.s32 $0x0, s20;
	[sflag:s22] =	ssyncset.done $0x0  }
0xa0: {  	[sflag:s22] =	ssyncadd.s32 s4;
	_ =	sdelay $0x1  }
0xa1: {  	s23 =	simm.s32 $0x1B8B  }
0xa2: {  	_ =	swait.ge [sflag:s23], $0x1  }
0xa3: {  	[sflag:s23] =	ssyncset.done $0x0  }
0xa4: {  	s25 =	simm.s32 $0x1B8E;
	s24 =	sld [smem:$0x3FFE];
	[sflag:s23] =	ssyncadd.s32 $0xFFFFFFFF  }
0xa5: {  	s26 =	simm.s32 $execute0_lowered;
	[smem:$0x3FD2] =	sst s25  }
0xa6: {  	s5 =	sshll.u32 s26, $0x1;
	_ =	strace $0x80000049;
	[dreg:$0x1] =	wrdreg $0xFFFFFFFF  }
0xa7: {  	s28 =	simm.s32 $_size_execute0_lowered;
	s3 =	sadd.s32 s3, s5;
	[dreg:$0x0] =	wrdreg $0x0  }
0xa8: {  	s5 =	sshll.u32 s28, $0x1;
	[dreg:$0x2] =	wrdreg s3  }
0xa9: {  	[dreg:$0x3] =	wrdreg s5  }
0xaa: {  	[dreg:$0x4] =	wrdreg $0xC0  }
0xab: {  	_ =	task [dreg:s7], $0x5FFFF  }
0xac: {  	[dreg:$0x1] =	wrdreg $0xFFFFFFFF  }
0xad: {  	[dreg:$0x0] =	wrdreg $0x60  }
0xae: {  	[dreg:$0x2] =	wrdreg s24  }
0xaf: {  	[dreg:$0x3] =	wrdreg s2  }
0xb0: {  	[dreg:$0x4] =	wrdreg $0x9  }
0xb1: {  	_ =	task.clear_ibuf [dreg:s7], $0x5FFFF;
	_ =	strace $0x90000049  }
0xb2: {  	s29 =	simm.s32 $0x9;
	_ =	strace $0x8000004B  }
0xb3: {  	_ =	swait.ge [sflag:s29], $0x1  }
0xb4: {  	[sflag:s29] =	ssyncadd.s32 $0xFFFFFFFF  }
0xb5: {  	_ =	strace $0x9000004B  }
0xb6: {  	_ =	sfence  }
0xb7: {  	s30 =	sld [smem:$0x0];
	_ =	sdelay $0x2  }
0xb8: {  	s31 =	sshll.u32 s1, $0xD;
	s1 =	sshrl.u32 s1, $0x2  }
0xb9: {  	s3 =	sand.u32 $0x4000, s31;
	s1 =	sadd.s32 s1, s30  }
0xba: {  	s0 =	sor.u32 s3, s0;
	s1 =	sshll.u32 s1, $0x11  }
0xbb: {  	s0 =	sor.u32 s1, s0  }
0xbc: {  	s0 =	sadd.s32 $0x8F2B, s0  }
0xbd: {  	[sflag:s0] =	ssyncadd.remote.s32 $0x1  }
0xbe: {  	_ =	sfence.sel $0xFFFF  }
0xbf: {  	[dreg:$0x0] =	wrdreg $0xFFFFFFFF;
	(pc) =	sbr.abs _section_cstart, $3  }
0xc0: {  	[dreg:$0x1] =	wrdreg $0xFFFFFFFF  }
0xc1: {  	_ =	task.clear_ibuf [dreg:s7], $0x2FFFF;
	_ =	strace $0x9FFFFFFF  }
0xc2: {  	(tm) =	ssettm $0x7FFFFFFF  }
0xc3: {  	_ =	shalt  }
tec
execute0_lowered:
.L_overlay_start_1:
0x0: {  	(tag) =	ssettag $0x1  }
0x1: {  	s4 =	rddreg [dreg:$0x0]  }
0x2: {  	s6 =	rddreg [dreg:$0x1]  }
0x3: {  	s0 =	rddreg [dreg:$0x2];
	s2 =	simm.s32 $0x0;
	s1 =	stileid.u32  }
0x4: {  	s3 =	srdreg.scid;
	[smem:$0x7FF] =	sst s2  }
0x5: {  	s5 =	sshll.u32 s1, $0x13;
	s7 =	sand.u32 $0x1, s3;
	s3 =	sadd.s32 $0x600, s4  }
0x6: {  	s9 =	sshll.u32 s1, $0xF;
	_ =	strace $0x8000004A;
	s5 =	sadd.s32 s5, s4  }
0x7: {  	s29 =	ssub.s32 $0x2, s7;
	s10 =	sshll.u32 s7, $0xE;
	s7 =	sshll.u32 s7, $0x12  }
0x8: {  	s8 =	sshrl.u32 s29, $0x1;
	s30 =	sor.u32 s10, s9;
	s5 =	sadd.s32 s7, s5  }
0x9: {  	s7 =	simm.s32 $0x2;
	s9 =	simm.s32 $0x1;
	s10 =	simm.s32 $0x0  }
0xa: {  	s4 =	ssub.s32 s29, s8;
	s31 =	sshrl.u32 s30, $0x3;
	s5 =	sadd.s32 $0xC1000, s5  }
0xb: {  	s8 =	simm.s32 $0x200;
	s4 =	smax.u32 s4, $0x1;
	s6 =	sadd.s32 s31, s6  }
.LBB2_1:
0xc: {  	s11 =	sadd.s32 $0x0, s6  }
0xd: {  	[tilespmem:s2], [sflag:$0x2] =	stream.linear.gather [hbm4b:s11+s2], $0x200, $0x38;
	[tilespmem:$0x10200] =	vst v63  }
0xe: {  	_ =	swait.ge [sflag:s7], $0x200  }
0xf: {  	[sflag:s7] =	ssyncset.done $0x0  }
0x10: {  	[sflag:s7] =	ssyncadd.s32 $0xFFFFFE00  }
0x11: {  	[tilespmem:s8], [sflag:$0x1] =	stream.indirect.gather [hbm4b:s3+s8], $0x80, s2, s8, $0xb8;
	[tilespmem:$0x10200] =	vst v63  }
0x12: {  	_ =	swait.ge [sflag:s9], $0x10000  }
0x13: {  	[sflag:s9] =	ssyncset.done $0x0  }
0x14: {  	[sflag:s9] =	ssyncadd.s32 $0xFFFF0000  }
0x15: {  	[hbm4b:s5+s2] =	stream.linear.scatter [tilespmem:s8], [sflag:$0x2], $0x10000, $0x38;
	[tilespmem:$0x10200] =	vst v63  }
0x16: {  	s12 =	simm.s32 $0x40;
	_ =	swait.ge [sflag:s7], $0x10000  }
0x17: {  	s13 =	simm.s32 $0x80;
	s11 =	sadd.s32 $0x2000, s5;
	[sflag:s7] =	ssyncset.done $0x0  }
.LBB2_2:
0x18: {  	s14 =	sadd.s32 s12, s6  }
0x19: {  	[sflag:s7] =	ssyncadd.s32 $0xFFFF0000;
	s12 =	smov.u32 s13;
	s15 =	sadd.s32 $0x40, s13  }
0x1a: {  	[tilespmem:s2], [sflag:$0x2] =	stream.linear.gather [hbm4b:s14+s2], $0x200, $0x38;
	[tilespmem:$0x10200] =	vst v63  }
0x1b: {  	p0 =	sne.s32 s13, $0x7C0;
	_ =	swait.ge [sflag:s7], $0x200  }
0x1c: {  	[sflag:s7] =	ssyncset.done $0x0  }
0x1d: {  	[sflag:s7] =	ssyncadd.s32 $0xFFFFFE00  }
0x1e: {  	[tilespmem:s8], [sflag:$0x1] =	stream.indirect.gather [hbm4b:s3+s8], $0x80, s2, s8, $0xb8;
	[tilespmem:$0x10200] =	vst v63  }
0x1f: {  	_ =	swait.ge [sflag:s9], $0x10000  }
.Ltmp0:
0x20: {  	[sflag:s9] =	ssyncset.done $0x0;
	(pc) =	sbr.rel @p0 .LBB2_2-.Ltmp0, $4  }
0x21: {  	[sflag:s9] =	ssyncadd.s32 $0xFFFF0000  }
0x22: {  	[hbm4b:s11+s2] =	stream.linear.scatter [tilespmem:s8], [sflag:$0x2], $0x10000, $0x38;
	[tilespmem:$0x10200] =	vst v63  }
0x23: {  	_ =	swait.ge [sflag:s7], $0x10000  }
0x24: {  	s13 =	smov.u32 s15;
	s11 =	sadd.s32 $0x2000, s11;
	[sflag:s7] =	ssyncset.done $0x0  }
0x25: {  	s12 =	sadd.s32 s12, s6;
	[sflag:s7] =	ssyncadd.s32 $0xFFFF0000  }
0x26: {  	[tilespmem:s2], [sflag:$0x2] =	stream.linear.gather [hbm4b:s12+s2], $0x200, $0x38;
	[tilespmem:$0x10200] =	vst v63  }
0x27: {  	_ =	swait.ge [sflag:s7], $0x200  }
0x28: {  	[sflag:s7] =	ssyncset.done $0x0  }
0x29: {  	[sflag:s7] =	ssyncadd.s32 $0xFFFFFE00  }
0x2a: {  	[tilespmem:s8], [sflag:$0x1] =	stream.indirect.gather [hbm4b:s3+s8], $0x80, s2, s8, $0xb8;
	[tilespmem:$0x10200] =	vst v63  }
0x2b: {  	s10 =	sadd.s32 $0x1, s10;
	_ =	swait.ge [sflag:s9], $0x10000  }
0x2c: {  	p0 =	sne.s32 s10, s4;
	[sflag:s9] =	ssyncset.done $0x0  }
.Ltmp1:
0x2d: {  	[sflag:s9] =	ssyncadd.s32 $0xFFFF0000;
	(pc) =	sbr.rel @p0 .LBB2_1-.Ltmp1, $4  }
0x2e: {  	[hbm4b:s11+s2] =	stream.linear.scatter [tilespmem:s8], [sflag:$0x2], $0x10000, $0x38;
	[tilespmem:$0x10200] =	vst v63  }
0x2f: {  	_ =	swait.ge [sflag:s7], $0x10000  }
0x30: {  	[sflag:s7] =	ssyncset.done $0x0  }
0x31: {  	[sflag:s7] =	ssyncadd.s32 $0xFFFF0000  }
0x32: {  	_ =	sfence.sel $0x180000  }
0x33: {  	[bflag:$0x0] =	sbarrier.arrive $0xFFFF  }
0x34: {  	p0 =	sne.s32 s1, $0x0;
	_ =	strace $0x9000004A  }
0x35: {  	s0 =	sadd.s32 @!p0 $0x100000, s0;
	[bflag:$0x2] =	sbarrier.arrive $0xFFFF  }
0x36: {  	[sflag:s0] =	ssyncadd.tile.s32 @!p0 $0x1;
	_ =	shalt  }
.Lfunc_end2:
_tile_overlayer_lowered:
.L_overlay_start_2:
0x37: {  	(tag) =	ssettag $0x2  }
0x38: {  	s0 =	rddreg [dreg:$0x0];
	s2 =	stileid.u32  }
0x39: {  	s1 =	rddreg [dreg:$0x1];
	p0 =	sne.s32 s2, $0x0  }
0x3a: {  	s3 =	rddreg [dreg:$0x2];
	[bflag:$0x3] =	sbarrier.arrive $0xFFFF;
	s2 =	simm.s32 @!p0 $0x1C02  }
0x3b: {  	[timem:s3], [sflag:s2] =	dma.local @!p0 [hbm:s0], s1  }
0x3c: {  	s0 =	simm.s32 @!p0 $0x2  }
0x3d: {  	_ =	swait.ge @!p0 [sflag:s0], s1  }
0x3e: {  	s1 =	ssub.s32 @!p0 $0x0, s1;
	[sflag:s0] =	ssyncset.done @!p0 $0x0  }
0x3f: {  	[sflag:s0] =	ssyncadd.s32 @!p0 s1  }
0x40: {  	[bflag:$0x3] =	sbarrier.arrive $0xFFFF  }
0x41: {  	_ =	shalt  }

// kernel: scatter_offload_async_start
scs
__scs_entry_jumppad:
0x0: {  	(pc) =	sbr.rel $0x88, $3  }
0x1: {  	(tag) =	ssettag $0x0;
	lr =	simm.s32 $0x1  }
0x2: {  	[smem:$0x3F83] =	sst lr;
	_ =	strace $0xD0000000  }
0x3: {  	_ = 	snop  }
0x4: {  	_ = 	snop  }
0x5: {  	_ = 	snop  }
0x6: {  	_ = 	snop  }
0x7: {  	_ = 	snop  }
__scs_overlays_trampoline_lowered:
0x8: {  	[smem:$0x3F92] =	sst s0  }
0x9: {  	[smem:$0x3F93] =	sst s1  }
0xa: {  	[smem:$0x3F94] =	sst s2  }
0xb: {  	[smem:$0x3F95] =	sst s3  }
0xc: {  	[smem:$0x3F96] =	sst s4  }
0xd: {  	[smem:$0x3F97] =	sst s5  }
0xe: {  	[smem:$0x3F98] =	sst s6  }
0xf: {  	[smem:$0x3F99] =	sst s7  }
0x10: {  	[smem:$0x3F9A] =	sst s8  }
0x11: {  	[smem:$0x3F9B] =	sst s9;
	s0 =	simm.s32 @!p0 $0x0  }
0x12: {  	s1 =	sld [smem:$0x3F81];
	s0 =	simm.s32 @p0 $0x1  }
0x13: {  	[smem:$0x3F9C] =	sst s0;
	s0 =	simm.s32 @!p1 $0x0  }
0x14: {  	s2 =	sld [smem:$0x3F80];
	s0 =	simm.s32 @p1 $0x1  }
0x15: {  	[smem:$0x3F9D] =	sst s0;
	s0 =	simm.s32 @!p2 $0x0  }
0x16: {  	s3 =	sld [smem:$0x3FDB];
	s0 =	simm.s32 @p2 $0x1  }
0x17: {  	s4 =	simm.s32 $0x1BF5;
	[smem:$0x3F9F] =	sst s0  }
0x18: {  	s0 =	sld [smem:$0x3F82];
	_ =	swait.ge [sflag:s4], $0x0  }
0x19: {  	s7 =	sld [smem:$0x3F83]  }
0x1a: {  	s8 =	sadd.s32 $0xFFFFE003, lr  }
0x1b: {  	s9 =	sadd.s32 $0xFFFFFEF7, lr;
	s5 =	simm.s32 $0xFFFFFFFF;
	p2 =	slt.u32 s8, $0xFFFFF086  }
0x1c: {  	p1 =	slt.u32 s9, $0xF7A;
	s5 =	simm.s32 @!p2 $0x0  }
0x1d: {  	s5 =	simm.s32 @p1 $0x1;
	p0 =	seq.s32 s7, s2  }
0x1e: {  	s7 =	smul.u32 @!p0 $0xF7A, s2;
	p2 =	seq.s32 @!p0 s5, $0x0  }
0x1f: {  	s9 =	smul.u32 $0xF7A, s1;
	s8 =	simm.s32 @!p0 $0x1BF5;
	p2 =	por !p2, p0  }
0x20: {  	[sflag:s8] =	ssyncset.s32 @!p0 $0xFFFFF086;
	s6 =	sadd.s32 @!p0 s3, s7;
	s7 =	simm.s32 @!p0 $0x108  }
0x21: {  	s3 =	sadd.s32 s3, s9;
	s6 =	sadd.s32 @!p0 $0x88, s6;
	s7 =	simm.s32 @p2 $0x1082  }
0x22: {  	[simem:s7], [sflag:s8] =	dma.local @!p0 [hbm:s6], $0xF7A  }
0x23: {  	s9 =	sor.u32 $0xD0000000, s2;
	s6 =	simm.s32 $0x108;
	_ =	swait.ge @!p0 [sflag:s8], $0x0  }
0x24: {  	s3 =	sadd.s32 $0x88, s3;
	s6 =	simm.s32 @!p1 $0x1082;
	[sflag:s4] =	ssyncset.s32 $0xFFFFF086  }
0x25: {  	[simem:s6], [sflag:s4] =	dma.local [hbm:s3], $0xF7A  }
0x26: {  	[smem:$0x3F83] =	sst s1;
	(tag) =	ssettag s2;
	_ =	strace s9  }
0x27: {  	s1 =	sld [smem:$0x3F93]  }
0x28: {  	s2 =	sld [smem:$0x3F94]  }
0x29: {  	s4 =	sld [smem:$0x3F96]  }
0x2a: {  	p0 =	seq.s32 s5, $0x0;
	s5 =	sld [smem:$0x3F97]  }
0x2b: {  	s6 =	sld [smem:$0x3F98]  }
0x2c: {  	s7 =	sld [smem:$0x3F99]  }
0x2d: {  	s3 =	simm.s32 $0x108;
	s8 =	sld [smem:$0x3F9A]  }
0x2e: {  	s3 =	simm.s32 @!p0 $0x1082;
	s9 =	sld [smem:$0x3F9B]  }
0x2f: {  	lr =	sadd.s32 s0, s3;
	s0 =	sld [smem:$0x3F92]  }
0x30: {  	s3 =	sld [smem:$0x3F95]  }
0x31: {  	[smem:$0x3F9E] =	sst s10  }
0x32: {  	s10 =	sld [smem:$0x3F9C];
	_ =	sdelay $0x3  }
0x33: {  	p0 =	seq.s32 s10, $0x1;
	s10 =	sld [smem:$0x3F9E];
	_ =	sdelay $0x3  }
0x34: {  	[smem:$0x3F9E] =	sst s10  }
0x35: {  	s10 =	sld [smem:$0x3F9D];
	_ =	sdelay $0x3  }
0x36: {  	p1 =	seq.s32 s10, $0x1;
	s10 =	sld [smem:$0x3F9E];
	_ =	sdelay $0x3  }
0x37: {  	[smem:$0x3F9E] =	sst s10  }
0x38: {  	s10 =	sld [smem:$0x3F9F]  }
0x39: {  	_ = 	snop;
	(pc) =	sbr.ind lr, $3  }
0x3a: {  	_ = 	snop  }
0x3b: {  	_ = 	snop  }
0x3c: {  	p2 =	seq.s32 s10, $0x1;
	s10 =	sld [smem:$0x3F9E]  }
0x3d: {  	_ =	shalt  }
0x3e: {  	_ =	shalt  }
0x3f: {  	_ =	shalt  }
0x40: {  	_ =	shalt  }
0x41: {  	_ =	shalt  }
0x42: {  	_ =	shalt  }
0x43: {  	_ =	shalt  }
0x44: {  	_ =	shalt  }
0x45: {  	_ =	shalt  }
0x46: {  	_ =	shalt  }
0x47: {  	_ =	shalt  }
0x48: {  	_ =	shalt  }
0x49: {  	_ =	shalt  }
0x4a: {  	_ =	shalt  }
0x4b: {  	_ =	shalt  }
0x4c: {  	_ =	shalt  }
0x4d: {  	_ =	shalt  }
0x4e: {  	_ =	shalt  }
0x4f: {  	_ =	shalt  }
0x50: {  	_ =	shalt  }
0x51: {  	_ =	shalt  }
0x52: {  	_ =	shalt  }
0x53: {  	_ =	shalt  }
0x54: {  	_ =	shalt  }
0x55: {  	_ =	shalt  }
0x56: {  	_ =	shalt  }
0x57: {  	_ =	shalt  }
0x58: {  	_ =	shalt  }
0x59: {  	_ =	shalt  }
0x5a: {  	_ =	shalt  }
0x5b: {  	_ =	shalt  }
0x5c: {  	_ =	shalt  }
0x5d: {  	_ =	shalt  }
0x5e: {  	_ =	shalt  }
0x5f: {  	_ =	shalt  }
0x60: {  	_ =	shalt  }
0x61: {  	_ =	shalt  }
0x62: {  	_ =	shalt  }
0x63: {  	_ =	shalt  }
0x64: {  	_ =	shalt  }
0x65: {  	_ =	shalt  }
0x66: {  	_ =	shalt  }
0x67: {  	_ =	shalt  }
0x68: {  	_ =	shalt  }
0x69: {  	_ =	shalt  }
0x6a: {  	_ =	shalt  }
0x6b: {  	_ =	shalt  }
0x6c: {  	_ =	shalt  }
0x6d: {  	_ =	shalt  }
0x6e: {  	_ =	shalt  }
0x6f: {  	_ =	shalt  }
0x70: {  	_ =	shalt  }
0x71: {  	_ =	shalt  }
0x72: {  	_ =	shalt  }
0x73: {  	_ =	shalt  }
0x74: {  	_ =	shalt  }
0x75: {  	_ =	shalt  }
0x76: {  	_ =	shalt  }
0x77: {  	_ =	shalt  }
0x78: {  	_ =	shalt  }
0x79: {  	_ =	shalt  }
0x7a: {  	_ =	shalt  }
0x7b: {  	_ =	shalt  }
0x7c: {  	_ =	shalt  }
0x7d: {  	_ =	shalt  }
0x7e: {  	_ =	shalt  }
0x7f: {  	_ =	shalt  }
0x80: {  	_ =	shalt  }
0x81: {  	_ =	shalt  }
0x82: {  	_ =	shalt  }
0x83: {  	_ =	shalt  }
0x84: {  	_ =	shalt  }
0x85: {  	_ =	shalt  }
0x86: {  	_ =	shalt  }
0x87: {  	_ =	shalt  }
.Lfunc_end0:
.L_simem_size_0:
called_computation_lowered:
.L_overlay_start_0:
0x88: {  	s0 =	sld [smem:$0x3FD9]  }
0x89: {  	s1 =	sld [smem:$0x3FFE];
	_ =	sdelay $0x3  }
0x8a: {  	s0 =	sadd.s32 s1, s0  }
0x8b: {  	[smem:$0x3FAA] =	sst s0  }
0x8c: {  	_ = 	snop  }
0x8d: {  	s0 =	sld [smem:$0x3FD0];
	(tm) =	ssettm $0x1  }
0x8e: {  	s16 =	sld [smem:$0x3FFB];
	_ =	sdelay $0x3  }
0x8f: {  	_ =	strace s16  }
0x90: {  	s1 =	sld [smem:$0x3FFC];
	_ =	sdelay $0x3  }
0x91: {  	_ =	strace s1  }
0x92: {  	s1 =	sld [smem:$0x3FFD];
	_ =	sdelay $0x3  }
0x93: {  	_ =	strace s1  }
0x94: {  	_ =	strace $0x8FFFFFFF  }
0x95: {  	s17 =	sld [smem:$0x3FDB];
	_ =	sdelay $0x1  }
0x96: {  	s2 =	simm.s32 $_scs_section_size  }
0x97: {  	s3 =	simm.s32 $_size__tile_overlayer_lowered;
	s4 =	simm.s32 $_tile_overlayer_lowered  }
0x98: {  	s20 =	simm.s32 $0x1BFF;
	s19 =	sshll.u32 s4, $0x1;
	s1 =	sadd.s32 s2, s17  }
0x99: {  	s5 =	simm.s32 $0x0;
	s18 =	sshll.u32 s3, $0x1;
	s3 =	sadd.s32 s19, s1  }
0x9a: {  	[timem:s5], [sflag:s20] =	dma.local [hbm:s3], s18  }
0x9b: {  	_ =	swait.ge [sflag:s20], s18  }
0x9c: {  	s2 =	ssub.s32 $0x0, s18;
	[sflag:s20] =	ssyncset.done $0x0  }
0x9d: {  	[sflag:s20] =	ssyncadd.s32 s2;
	_ =	sdelay $0x1  }
0x9e: {  	s21 =	simm.s32 $0x1B8B  }
0x9f: {  	_ =	swait.ge [sflag:s21], $0x1  }
0xa0: {  	[sflag:s21] =	ssyncset.done $0x0  }
0xa1: {  	s23 =	simm.s32 $0x1B8E;
	s22 =	sld [smem:$0x3FFE];
	[sflag:s21] =	ssyncadd.s32 $0xFFFFFFFF  }
0xa2: {  	s24 =	simm.s32 $execute0_lowered;
	[smem:$0x3FD2] =	sst s23  }
0xa3: {  	s3 =	sshll.u32 s24, $0x1;
	_ =	strace $0x80000046;
	[dreg:$0x1] =	wrdreg $0xFFFFFFFF  }
0xa4: {  	s25 =	simm.s32 $_size_execute0_lowered;
	s1 =	sadd.s32 s1, s3;
	[dreg:$0x0] =	wrdreg $0x0  }
0xa5: {  	s3 =	sshll.u32 s25, $0x1;
	[dreg:$0x2] =	wrdreg s1  }
0xa6: {  	[dreg:$0x3] =	wrdreg s3  }
0xa7: {  	[dreg:$0x4] =	wrdreg $0xC0  }
0xa8: {  	_ =	task [dreg:s5], $0x5FFFF  }
0xa9: {  	[dreg:$0x1] =	wrdreg $0xFFFFFFFF  }
0xaa: {  	[dreg:$0x0] =	wrdreg $0x60  }
0xab: {  	[dreg:$0x2] =	wrdreg s22  }
0xac: {  	[dreg:$0x3] =	wrdreg s0  }
0xad: {  	[dreg:$0x4] =	wrdreg $0x9  }
0xae: {  	_ =	task.clear_ibuf [dreg:s5], $0x5FFFF;
	_ =	strace $0x90000046  }
0xaf: {  	s26 =	simm.s32 $0x9;
	_ =	strace $0x80000048  }
0xb0: {  	_ =	swait.ge [sflag:s26], $0x1  }
0xb1: {  	[sflag:s26] =	ssyncadd.s32 $0xFFFFFFFF  }
0xb2: {  	_ =	strace $0x90000048  }
0xb3: {  	_ =	sfence  }
0xb4: {  	s28 =	sld [smem:$0x0];
	_ =	sdelay $0x1  }
0xb5: {  	s29 =	srdreg.scid  }
0xb6: {  	s30 =	sshll.u32 s29, $0xD;
	s31 =	sshrl.u32 s29, $0x2  }
0xb7: {  	s2 =	sand.u32 $0x4000, s30;
	s1 =	sand.u32 $0x1, s29;
	s0 =	sadd.s32 s31, s28  }
0xb8: {  	s1 =	sor.u32 s2, s1;
	s0 =	sshll.u32 s0, $0x11  }
0xb9: {  	s0 =	sor.u32 s0, s1  }
0xba: {  	s0 =	sadd.s32 $0x8F2B, s0  }
0xbb: {  	[sflag:s0] =	ssyncadd.remote.s32 $0x1  }
0xbc: {  	_ =	sfence.sel $0xFFFF  }
0xbd: {  	[dreg:$0x0] =	wrdreg $0xFFFFFFFF;
	(pc) =	sbr.abs _section_cstart, $3  }
0xbe: {  	[dreg:$0x1] =	wrdreg $0xFFFFFFFF  }
0xbf: {  	_ =	task.clear_ibuf [dreg:s5], $0x2FFFF;
	_ =	strace $0x9FFFFFFF  }
0xc0: {  	(tm) =	ssettm $0x7FFFFFFF  }
0xc1: {  	_ =	shalt  }
tec
execute0_lowered:
.L_overlay_start_1:
0x0: {  	(tag) =	ssettag $0x1  }
0x1: {  	s3 =	rddreg [dreg:$0x0]  }
0x2: {  	s2 =	rddreg [dreg:$0x1]  }
0x3: {  	s0 =	rddreg [dreg:$0x2];
	_ =	strace $0x80000047;
	s4 =	stileid.u32  }
0x4: {  	s5 =	simm.s32 $0x3E;
	s1 =	sadd.s32 $0x400, s3;
	p0 =	sne.s32 s4, $0x0  }
0x5: {  	[sflag:s5] =	ssyncpa.u1 $0x0;
	s6 =	simm.s32 @!p0 $0x1C3E;
	s7 =	simm.s32 @!p0 $0x0  }
0x6: {  	[spmem:s7], [sflag:s6] =	dma.local @!p0 [hbm:s1], $0x10  }
0x7: {  	s6 =	simm.s32 @!p0 $0x3E  }
0x8: {  	_ =	swait.ge @!p0 [sflag:s6], $0x10  }
0x9: {  	[sflag:s6] =	ssyncset.done @!p0 $0x0  }
0xa: {  	[sflag:s6] =	ssyncadd.s32 @!p0 $0xFFFFFFF0  }
0xb: {  	s28 =	simm.s32 $0x1;
	[bflag:$0x0] =	sbarrier.arrive $0xFFFF  }
0xc: {  	s29 =	simm.s32 $0x2;
	s4 =	sshll.u32 s4, $0x6;
	[sflag:s5] =	ssyncpa.u1 $0x1  }
0xd: {  	s31 =	simm.s32 $0x208;
	s30 =	sadd.s32 s2, s4;
	[sflag:s28] =	ssyncpa.u1 $0x0  }
0xe: {  	s2 =	simm.s32 $0x0;
	(ifvalue) =	ssetifvalue $0x80;
	[sflag:s29] =	ssyncpa.u1 $0x0  }
0xf: {  	[tilespmem:s31], [sflag:$0x2] =	stream.linear.gather [hbm4b:s30+s2], $0x200, $0x38;
	[tilespmem:$0x808] =	vst v63  }
0x10: {  	s4 =	sadd.s32 s3, s4;
	s3 =	simm.s32 $0x608  }
0x11: {  	[tilespmem:s3], [sflag:$0x2] =	stream.linear.gather [hbm4b:s4+s2], $0x200, $0x38;
	[tilespmem:$0x808] =	vst v63  }
0x12: {  	_ =	swait.ge [sflag:s29], $0x400  }
0x13: {  	[sflag:s29] =	ssyncset.done $0x0  }
0x14: {  	[sflag:s29] =	ssyncadd.s32 $0xFFFFFC00  }
0x15: {  	v0 =	vld.msk [tilespmem:s31+$0x0 ss:$0x1], $0xffff;
	_ =	sdelay $0x4  }
0x16: {  	v0 =	vmin.u32 v0, $0x80;
	_ =	sdelay $0x3  }
0x17: {  	vm0 =	vmmov $0xffff;
	s5 =	simm.s32 $0x218;
	s4 =	simm.s32 $0x0  }
0x18: {  	[spmem:s2] =	stream.indirect_vreg.scatter.add.s32 [tilespmem:s3], [sflag:$0x1], $0x1, v0, vm0, $0x4038;
	[tilespmem:$0x808] =	vst v63  }
.LBB2_1:
0x19: {  	v0 =	vld.msk [tilespmem:s5+$0x0 ss:$0x1], $0xffff;
	s4 =	sadd.s32 $0x10, s4  }
0x1a: {  	p1 =	slt.u32 s4, $0x1F0;
	_ =	sdelay $0x4  }
0x1b: {  	v0 =	vmin.u32 v0, $0x80  }
.Ltmp0:
0x1c: {  	(pc) =	sbr.rel @p1 .LBB2_1-.Ltmp0, $3  }
0x1d: {  	_ =	sdelay $0x1  }
0x1e: {  	s5 =	sadd.s32 $0x10, s5;
	s3 =	sadd.s32 $0x10, s3  }
0x1f: {  	[spmem:s2] =	stream.indirect_vreg.scatter.add.s32 [tilespmem:s3], [sflag:$0x1], $0x1, v0, vm0, $0x4038;
	[tilespmem:$0x808] =	vst v63  }
0x20: {  	s2 =	simm.s32 $0x1  }
0x21: {  	_ =	swait.ge [sflag:s2], $0x200  }
0x22: {  	[sflag:s2] =	ssyncset.done $0x0  }
0x23: {  	[sflag:s2] =	ssyncadd.s32 $0xFFFFFE00  }
0x24: {  	_ =	sfence.sel $0x180000  }
0x25: {  	s3 =	simm.s32 $0x2;
	[bflag:$0x0] =	sbarrier.arrive $0xFFFF  }
0x26: {  	[sflag:s3] =	ssyncpa.u1 $0x1  }
0x27: {  	[sflag:s2] =	ssyncpa.u1 $0x1  }
0x28: {  	_ =	sfence.stream.spmem  }
0x29: {  	s31 =	simm.s32 $0x3D;
	[bflag:$0x0] =	sbarrier.arrive $0xFFFF  }
0x2a: {  	s2 =	simm.s32 @p0 $0x3D;
	[sflag:s31] =	ssyncpa.u1 $0x0  }
0x2b: {  	[sflag:s2] =	ssyncpa.u1 @p0 $0x1  }
0x2c: {  	[bflag:$0x0] =	sbarrier.arrive @p0 $0xFFFF  }
0x2d: {  	_ =	strace @p0 $0x90000047  }
0x2e: {  	s3 =	simm.s32 @!p0 $0x1C3D;
	s2 =	simm.s32 @!p0 $0x0;
	[bflag:$0x2] =	sbarrier.arrive @p0 $0xFFFF  }
0x2f: {  	[hbm:s1], [sflag:s3] =	dma.local @!p0 [spmem:s2], $0x10  }
0x30: {  	s1 =	simm.s32 @!p0 $0x3D  }
0x31: {  	_ =	swait.ge @!p0 [sflag:s1], $0x10  }
0x32: {  	[sflag:s1] =	ssyncset.done @!p0 $0x0  }
0x33: {  	[sflag:s1] =	ssyncadd.s32 @!p0 $0xFFFFFFF0  }
0x34: {  	[sflag:s1] =	ssyncpa.u1 @!p0 $0x1  }
0x35: {  	[bflag:$0x0] =	sbarrier.arrive @!p0 $0xFFFF  }
0x36: {  	_ =	strace @!p0 $0x90000047  }
0x37: {  	s0 =	sadd.s32 @!p0 $0x100000, s0;
	[bflag:$0x2] =	sbarrier.arrive @!p0 $0xFFFF  }
0x38: {  	[sflag:s0] =	ssyncadd.tile.s32 @!p0 $0x1;
	_ =	shalt  }
.Lfunc_end2:
_tile_overlayer_lowered:
.L_overlay_start_2:
0x39: {  	(tag) =	ssettag $0x2  }
0x3a: {  	s0 =	rddreg [dreg:$0x0];
	s2 =	stileid.u32  }
0x3b: {  	s1 =	rddreg [dreg:$0x1];
	p0 =	sne.s32 s2, $0x0  }
0x3c: {  	s3 =	rddreg [dreg:$0x2];
	[bflag:$0x3] =	sbarrier.arrive $0xFFFF;
	s2 =	simm.s32 @!p0 $0x1C01  }
0x3d: {  	[timem:s3], [sflag:s2] =	dma.local @!p0 [hbm:s0], s1  }
0x3e: {  	s0 =	simm.s32 @!p0 $0x1  }
0x3f: {  	_ =	swait.ge @!p0 [sflag:s0], s1  }
0x40: {  	s1 =	ssub.s32 @!p0 $0x0, s1;
	[sflag:s0] =	ssyncset.done @!p0 $0x0  }
0x41: {  	[sflag:s0] =	ssyncadd.s32 @!p0 s1  }
0x42: {  	[bflag:$0x3] =	sbarrier.arrive $0xFFFF  }
0x43: {  	_ =	shalt  }

// kernel: sparse-core-data-format-call.cloned.1.call-start
scs
called_computation.1_lowered:
.L_overlay_start_0:
0x0: {  	s1 =	sld [smem:$0x3FD9]  }
0x1: {  	s2 =	sld [smem:$0x3FFE];
	_ =	sdelay $0x1  }
0x2: {  	s3 =	srdreg.scid  }
0x3: {  	s0 =	sand.u32 $0x1, s3  }
0x4: {  	s17 =	sshll.u32 s0, $0xA;
	s1 =	sadd.s32 s2, s1  }
0x5: {  	s1 =	sadd.s32 s1, s17  }
0x6: {  	[smem:$0x3FAA] =	sst s1  }
0x7: {  	_ = 	snop  }
0x8: {  	(tm) =	ssettm $0x1  }
0x9: {  	s18 =	sld [smem:$0x3FFB];
	_ =	sdelay $0x3  }
0xa: {  	_ =	strace s18  }
0xb: {  	s1 =	sld [smem:$0x3FFC];
	_ =	sdelay $0x3  }
0xc: {  	_ =	strace s1  }
0xd: {  	s1 =	sld [smem:$0x3FFD];
	_ =	sdelay $0x3  }
0xe: {  	_ =	strace s1  }
0xf: {  	_ =	strace $0x8FFFFFFF  }
0x10: {  	s19 =	sld [smem:$0x3FDB];
	_ =	sdelay $0x1  }
0x11: {  	s20 =	simm.s32 $_scs_section_size  }
0x12: {  	s4 =	simm.s32 $_size__tile_overlayer_lowered;
	s5 =	simm.s32 $_tile_overlayer_lowered  }
0x13: {  	s23 =	simm.s32 $0x1BFF;
	s22 =	sshll.u32 s5, $0x1;
	s1 =	sadd.s32 s20, s19  }
0x14: {  	s6 =	simm.s32 $0x0;
	s21 =	sshll.u32 s4, $0x1;
	s4 =	sadd.s32 s22, s1  }
0x15: {  	[timem:s6], [sflag:s23] =	dma.local [hbm:s4], s21  }
0x16: {  	_ =	swait.ge [sflag:s23], s21  }
0x17: {  	s2 =	ssub.s32 $0x0, s21;
	[sflag:s23] =	ssyncset.done $0x0  }
0x18: {  	[sflag:s23] =	ssyncadd.s32 s2;
	_ =	sdelay $0x1  }
0x19: {  	s24 =	simm.s32 $0x1B8B  }
0x1a: {  	_ =	swait.ge [sflag:s24], $0x1  }
0x1b: {  	[sflag:s24] =	ssyncset.done $0x0  }
0x1c: {  	s26 =	simm.s32 $0x1B8E;
	s25 =	sld [smem:$0x3FFE];
	[sflag:s24] =	ssyncadd.s32 $0xFFFFFFFF  }
0x1d: {  	s27 =	simm.s32 $execute0_lowered;
	[smem:$0x3FD2] =	sst s26  }
0x1e: {  	s4 =	sshll.u32 s27, $0x1;
	_ =	strace $0x8000004F;
	[dreg:$0x1] =	wrdreg $0xFFFFFFFF  }
0x1f: {  	s28 =	simm.s32 $_size_execute0_lowered;
	s1 =	sadd.s32 s1, s4;
	[dreg:$0x0] =	wrdreg $0x0  }
0x20: {  	s4 =	sshll.u32 s28, $0x1;
	[dreg:$0x2] =	wrdreg s1  }
0x21: {  	[dreg:$0x3] =	wrdreg s4  }
0x22: {  	[dreg:$0x4] =	wrdreg $0xC0  }
0x23: {  	_ =	task [dreg:s6], $0x5FFFF  }
0x24: {  	[dreg:$0x1] =	wrdreg $0xFFFFFFFF  }
0x25: {  	[dreg:$0x0] =	wrdreg $0x60  }
0x26: {  	[dreg:$0x2] =	wrdreg s25  }
0x27: {  	[dreg:$0x3] =	wrdreg $0x9  }
0x28: {  	_ =	task.clear_ibuf [dreg:s6], $0x4FFFF;
	_ =	strace $0x9000004F  }
0x29: {  	s29 =	simm.s32 $0x9;
	_ =	strace $0x80000051  }
0x2a: {  	_ =	swait.ge [sflag:s29], $0x1  }
0x2b: {  	[sflag:s29] =	ssyncadd.s32 $0xFFFFFFFF  }
0x2c: {  	_ =	strace $0x90000051  }
0x2d: {  	_ =	sfence  }
0x2e: {  	s30 =	sld [smem:$0x0];
	_ =	sdelay $0x2  }
0x2f: {  	s31 =	sshll.u32 s3, $0xD;
	s3 =	sshrl.u32 s3, $0x2  }
0x30: {  	s2 =	sand.u32 $0x4000, s31;
	s1 =	sadd.s32 s3, s30  }
0x31: {  	s0 =	sor.u32 s2, s0;
	s1 =	sshll.u32 s1, $0x11  }
0x32: {  	s0 =	sor.u32 s1, s0  }
0x33: {  	s0 =	sadd.s32 $0x8F2B, s0  }
0x34: {  	[sflag:s0] =	ssyncadd.remote.s32 $0x1  }
0x35: {  	_ =	sfence.sel $0xFFFF  }
0x36: {  	[dreg:$0x0] =	wrdreg $0xFFFFFFFF;
	(pc) =	sbr.abs _section_cstart, $3  }
0x37: {  	[dreg:$0x1] =	wrdreg $0xFFFFFFFF  }
0x38: {  	_ =	task.clear_ibuf [dreg:s6], $0x2FFFF;
	_ =	strace $0x9FFFFFFF  }
0x39: {  	(tm) =	ssettm $0x7FFFFFFF  }
tec
execute0_lowered:
.L_overlay_start_1:
0x0: {  	(tag) =	ssettag $0x1  }
0x1: {  	s0 =	stileid.u32;
	s1 =	srdreg.scid  }
0x2: {  	s4 =	rddreg [dreg:$0x0];
	s7 =	simm.s32 $0x1;
	s31 =	simm.s32 $0x2  }
0x3: {  	s14 =	simm.s32 $0x0;
	s2 =	sshll.u32 s0, $0x5;
	s1 =	sshll.u32 s1, $0x9  }
0x4: {  	s9 =	simm.s32 $0x10000;
	s15 =	simm.s32 $0x0;
	s1 =	sor.u32 s2, s1  }
0x5: {  	s16 =	simm.s32 $0x0;
	s10 =	simm.s32 $0x0;
	s2 =	sand.u32 $0x380, s1  }
0x6: {  	s13 =	simm.s32 $0x0;
	s3 =	sadd.s32 $0x116000, s4;
	s5 =	ssub.s32 $0x2000, s2  }
0x7: {  	s4 =	sadd.s32 $0xD16000, s4;
	s1 =	rddreg [dreg:$0x1];
	s6 =	sand.u32 $0x380, s5  }
.Ltmp0:
0x8: {  	_ =	strace $0x80000050;
	p0 =	sne.s32 s6, $0x0;
	(pc) =	sbr.rel .LBB1_1-.Ltmp0, $4  }
0x9: {  	s11 =	smov.u32 s2;
	s8 =	sshrl.u32 s5, $0xA;
	s7 =	simm.s32 @!p0 $0x0  }
0xa: {  	s5 =	sand.u32 $0x3, s0;
	s6 =	simm.s32 $0x1;
	s7 =	sadd.s32 s7, s8  }
0xb: {  	s12 =	smov.u32 s5;
	[sflag:s6] =	ssyncpa.u1 $0x0;
	s7 =	sshll.u32 s7, $0x4  }
0xc: {  	p0 =	por $0x0, $0x0;
	[sflag:s31] =	ssyncpa.u1 $0x0;
	s8 =	sor.u32 $0x1, s7  }
.LBB1_4:
0xd: {  	s19 =	sshll.u32 s15, $0x3  }
0xe: {  	s20 =	sand.u32 $0x78, s15;
	s16 =	sshll.u32 s16, $0x14;
	s30 =	sand.u32 $0xFC00, s15  }
0xf: {  	s14 =	sshll.u32 s14, $0x10;
	s19 =	sand.u32 $0x1C00, s19;
	s16 =	sadd.s32 s4, s16  }
0x10: {  	[tilespmem:s18+$0x810 ss:$0x81] =	vst.msk $0xffff, v2;
	s31 =	sand.u32 $0x7, s15;
	s19 =	sor.u32 s20, s19;
	s16 =	sadd.s32 s30, s16  }
0x11: {  	[tilespmem:s18+$0x1020 ss:$0x81] =	vst.msk $0xffff, v0;
	s15 =	sshll.u32 s31, $0x12;
	s19 =	sshrl.u32 s19, $0x3;
	s14 =	sadd.s32 s14, s16  }
0x12: {  	[tilespmem:s18+$0x0 ss:$0x81] =	vst.msk $0xffff, v1;
	s15 =	sor.u32 $0x400, s15;
	s14 =	sadd.s32 s19, s14  }
0x13: {  	[hbm4b:s14+s15] =	stream.strided.scatter [tilespmem:s17], [sflag:$0x2], $0x2000, s9, s15, $0x20;
	[tilespmem:$0x8080] =	vst v63  }
.LBB1_5:
0x14: {  	s17 =	sadd.s32 $0x1, s10  }
0x15: {  	s14 =	sadd.s32 $0x400, s11;
	s18 =	smov.u32 s11;
	p2 =	sgt.s32 s17, $0xF  }
0x16: {  	s18 =	smov.u32 @p2 s14  }
0x17: {  	s20 =	smov.u32 s12;
	s14 =	sadd.s32 $0x4, s12;
	p3 =	sgt.s32 s18, $0x1FFF  }
0x18: {  	s20 =	smov.u32 @p3 s14  }
0x19: {  	s17 =	simm.s32 @p2 $0x0;
	p2 =	sgt.s32 s20, $0x3  }
0x1a: {  	p1 =	slt.u32 s13, $0x2;
	s20 =	smov.u32 @p2 s5;
	p2 =	sne.s32 s13, s8  }
.Ltmp1:
0x1b: {  	s19 =	simm.s32 @!p1 $0x2;
	(pc) =	sbr.rel @!p2 .LBB1_6-.Ltmp1, $4  }
0x1c: {  	s15 =	smov.u32 s11;
	s16 =	smov.u32 s12;
	_ =	swait.ge @!p1 [sflag:s19], $0x2000  }
0x1d: {  	p0 =	por !p0, !p0;
	[sflag:s19] =	ssyncset.done @!p1 $0x0;
	s18 =	smov.u32 @p3 s2  }
0x1e: {  	s14 =	smov.u32 s10;
	[sflag:s19] =	ssyncadd.s32 @!p1 $0xFFFFE000;
	s10 =	smov.u32 s17  }
0x1f: {  	s11 =	smov.u32 s18;
	s13 =	sadd.s32 $0x1, s13;
	s12 =	smov.u32 s20  }
.LBB1_1:
0x20: {  	p1 =	sge.u32 s13, s7;
	s31 =	sadd.s32 $0xFFFFFFFF, s13  }
0x21: {  	s17 =	sxor.u32 @!p1 $0xFFFFFFFF, s13;
	s18 =	sshll.u32 @!p1 s12, $0x15;
	s19 =	sshll.u32 @!p1 s11, $0x8  }
0x22: {  	s20 =	sshll.u32 @!p1 s10, $0x4;
	s17 =	sshll.u32 @!p1 s17, $0xD;
	s18 =	sadd.s32 @!p1 s3, s18  }
0x23: {  	s20 =	sand.u32 @!p1 $0xF0, s20;
	s17 =	sand.u32 @!p1 $0x2000, s17;
	s18 =	sadd.s32 @!p1 s19, s18  }
0x24: {  	s19 =	simm.s32 @!p1 $0x40;
	s18 =	sadd.s32 @!p1 s20, s18;
	s20 =	simm.s32 @!p1 $0x800  }
0x25: {  	[tilespmem:s17], [sflag:$0x1] =	stream.strided.gather @!p1 [hbm4b:s18+s19], $0x2000, s20, s19, $0x38;
	[tilespmem:$0x8080] =	vst v63  }
0x26: {  	p1 =	sge.u32 s31, s7  }
.Ltmp2:
0x27: {  	_ = 	snop;
	(pc) =	sbr.rel @p1 .LBB1_5-.Ltmp2, $1  }
0x28: {  	_ =	sdelay $0x3  }
0x29: {  	s17 =	simm.s32 $0x1  }
0x2a: {  	_ =	swait.ge [sflag:s6], $0x2000;
	s17 =	simm.s32 @!p0 $0x0  }
0x2b: {  	[sflag:s6] =	ssyncset.done $0x0;
	s18 =	sshll.u32 s17, $0xD  }
0x2c: {  	[sflag:s6] =	ssyncadd.s32 $0xFFFFE000;
	s21 =	sor.u32 $0x20, s18  }
0x2d: {  	s17 =	smul.u32 $0x8100, s17;
	v3 =	vld [tilespmem:s21+$0x10]  }
0x2e: {  	s30 =	sand.u32 $0x1, s13;
	v2 =	vld [tilespmem:s21+$0xFFFFFFF0]  }
0x2f: {  	s18 =	smul.u32 $0x8100, s30;
	s17 =	sshrl.u32 s17, $0x2;
	v0 =	vld [tilespmem:s21+$0x0]  }
0x30: {  	v1 =	vld [tilespmem:s21+$0xFFFFFFE0];
	s19 =	sor.u32 $0x4000, s17  }
0x31: {  	s31 =	sshrl.u32 s18, $0x2;
	s18 =	sadd.s32 $0x0, s19  }
0x32: {  	s20 =	simm.s32 $0x4;
	s21 =	sadd.s32 $0x40, s21;
	s17 =	sor.u32 $0x4000, s31;
	[tilespmem:s18+$0x1830 ss:$0x81] =	vst.msk $0xffff, v3  }
.LBB1_3:
0x33: {  	v3 =	vld [tilespmem:s21+$0x10];
	p1 =	sne.s32 s20, $0x1FC;
	[tilespmem:s18+$0x810 ss:$0x81] =	vst.msk $0xffff, v2;
	s22 =	smov.u32 s20;
	s20 =	sadd.s32 $0x4, s20  }
.Ltmp3:
0x34: {  	v2 =	vld [tilespmem:s21+$0xFFFFFFF0];
	[tilespmem:s18+$0x1020 ss:$0x81] =	vst.msk $0xffff, v0;
	(pc) =	sbr.rel @p1 .LBB1_3-.Ltmp3, $4  }
0x35: {  	v0 =	vld [tilespmem:s21+$0x0];
	[tilespmem:s18+$0x0 ss:$0x81] =	vst.msk $0xffff, v1  }
0x36: {  	s18 =	sshra.s32 s22, $0x2;
	v1 =	vld [tilespmem:s21+$0xFFFFFFE0]  }
0x37: {  	s18 =	sadd.s32 s18, s19  }
0x38: {  	s21 =	sadd.s32 $0x40, s21;
	[tilespmem:s18+$0x1830 ss:$0x81] =	vst.msk $0xffff, v3  }
.Ltmp4:
0x39: {  	_ = 	snop;
	(pc) =	sbr.rel .LBB1_4-.Ltmp4, $1  }
0x3a: {  	_ =	sdelay $0x3  }
.LBB1_6:
0x3b: {  	_ =	sfence.sel $0x180000  }
0x3c: {  	s2 =	simm.s32 $0x1;
	[bflag:$0x0] =	sbarrier.arrive $0xFFFF  }
0x3d: {  	s31 =	simm.s32 $0x2;
	[sflag:s2] =	ssyncpa.u1 $0x1  }
0x3e: {  	[sflag:s31] =	ssyncpa.u1 $0x1  }
0x3f: {  	p0 =	sne.s32 s0, $0x0;
	_ =	strace $0x90000050  }
0x40: {  	s0 =	sadd.s32 @!p0 $0x100000, s1;
	[bflag:$0x2] =	sbarrier.arrive $0xFFFF  }
0x41: {  	[sflag:s0] =	ssyncadd.tile.s32 @!p0 $0x1;
	_ =	shalt  }
.Lfunc_end1:
_tile_overlayer_lowered:
.L_overlay_start_2:
0x42: {  	(tag) =	ssettag $0x2  }
0x43: {  	s0 =	rddreg [dreg:$0x0];
	s2 =	stileid.u32  }
0x44: {  	s1 =	rddreg [dreg:$0x1];
	p0 =	sne.s32 s2, $0x0  }
0x45: {  	s3 =	rddreg [dreg:$0x2];
	[bflag:$0x3] =	sbarrier.arrive $0xFFFF;
	s2 =	simm.s32 @!p0 $0x1C01  }
0x46: {  	[timem:s3], [sflag:s2] =	dma.local @!p0 [hbm:s0], s1  }
0x47: {  	s0 =	simm.s32 @!p0 $0x1  }
0x48: {  	_ =	swait.ge @!p0 [sflag:s0], s1  }
0x49: {  	s1 =	ssub.s32 @!p0 $0x0, s1;
	[sflag:s0] =	ssyncset.done @!p0 $0x0  }
0x4a: {  	[sflag:s0] =	ssyncadd.s32 @!p0 s1  }
0x4b: {  	[bflag:$0x3] =	sbarrier.arrive $0xFFFF  }
0x4c: {  	_ =	shalt  }

</sc_bundles>
